<compile_context>
chip_gen: v7x
topology: tpu7x:2x2x1
jax: 0.10.2.dev20260603
libtpu: 0.0.44.dev20260713+nightly
codegen_flags: <defaults>
</compile_context>

<pallas_src>
import functools

import jax
import jax.numpy as jnp
from jax import lax
from jax.experimental import pallas as pl
from jax.experimental.pallas import tpu as pltpu
from jax.experimental.pallas import tpu_sc as plsc

N_NODES = 10000
FEAT = 128
N_GRAPHS = 64

NC = 2
NT = 16
NW = NC * NT
NP = 10112
SLICE = NP // NT

BLK = 1000
GRID = N_NODES // BLK


def _sc_mesh():
    return plsc.VectorSubcoreMesh(core_axis_name="c", subcore_axis_name="s")


def _deg_call(coli, zeros1d):
    chunks = coli.shape[0]
    rpt = chunks // NW
    npd = 10240
    tile_rows = npd // NT

    @functools.partial(
        pl.kernel,
        out_type=jax.ShapeDtypeStruct((NC * npd,), jnp.float32),
        mesh=_sc_mesh(),
        scratch_types=[
            pltpu.VMEM((rpt, 128), jnp.int32),
            pltpu.VMEM((128,), jnp.float32),
            pltpu.VMEM_SHARED((npd,), jnp.float32),
            pltpu.SemaphoreType.DMA,
        ],
    )
    def deg_k(coli_hbm, zeros_hbm, out_hbm, colv, onesv, deg_sh, sem):
        c = lax.axis_index("c")
        s = lax.axis_index("s")
        wid = c * NT + s
        pltpu.sync_copy(zeros_hbm.at[pl.ds(s * tile_rows, tile_rows)],
                        deg_sh.at[pl.ds(s * tile_rows, tile_rows)])
        pltpu.sync_copy(coli_hbm.at[pl.ds(wid * rpt, rpt)], colv)
        for k in range(8):
            onesv[pl.ds(k * 16, 16)] = jnp.ones((16,), jnp.float32)
        plsc.subcore_barrier()

        def wait_one():
            pltpu.make_async_copy(zeros_hbm.at[pl.ds(0, 128)], onesv,
                                  sem).wait()

        pltpu.async_copy(onesv, deg_sh.at[colv.at[0]], sem, add=True)

        def body(j, carry):
            pltpu.async_copy(onesv, deg_sh.at[colv.at[j]], sem, add=True)
            wait_one()
            return carry

        lax.fori_loop(1, rpt, body, 0)
        wait_one()
        plsc.subcore_barrier()
        pltpu.sync_copy(deg_sh.at[pl.ds(s * tile_rows, tile_rows)],
                        out_hbm.at[pl.ds(c * npd + s * tile_rows, tile_rows)])

    return deg_k(coli, zeros1d)


def _agg_call(hs, rowi, coli, zeros128):
    chunks = rowi.shape[0]
    rpt = chunks // NW

    @functools.partial(
        pl.kernel,
        out_type=jax.ShapeDtypeStruct((NC, NP, FEAT), jnp.float32),
        mesh=_sc_mesh(),
        scratch_types=[
            pltpu.VMEM((40, 128), jnp.int32),
            pltpu.VMEM((40, 128), jnp.int32),
            pltpu.VMEM((128, FEAT), jnp.float32),
            pltpu.VMEM((128, FEAT), jnp.float32),
            pltpu.VMEM_SHARED((NP, FEAT), jnp.float32),
            pltpu.SemaphoreType.DMA,
        ],
    )
    def agg_k(hs_hbm, rowi_hbm, coli_hbm, zeros_hbm, out_hbm,
              rowv, colv, gbuf0, gbuf1, acc_sh, sem):
        c = lax.axis_index("c")
        s = lax.axis_index("s")
        wid = c * NT + s
        seg = 40
        nseg = rpt // seg
        pltpu.sync_copy(zeros_hbm, acc_sh.at[pl.ds(s * SLICE, SLICE)])
        plsc.subcore_barrier()

        def seg_body(g, carry):
            base = wid * rpt + g * seg
            pltpu.sync_copy(rowi_hbm.at[pl.ds(base, seg)], rowv)
            pltpu.sync_copy(coli_hbm.at[pl.ds(base, seg)], colv)
            pltpu.async_copy(hs_hbm.at[rowv.at[0]], gbuf0, sem)

            def body(t, c2):
                j0 = t * 2
                pltpu.make_async_copy(hs_hbm.at[rowv.at[0]], gbuf0, sem).wait()
                pltpu.async_copy(hs_hbm.at[rowv.at[j0 + 1]], gbuf1, sem)
                pltpu.sync_copy(gbuf0, acc_sh.at[colv.at[j0]], add=True)
                pltpu.make_async_copy(hs_hbm.at[rowv.at[0]], gbuf1, sem).wait()

                @pl.when(t + 1 < seg // 2)
                def _():
                    pltpu.async_copy(hs_hbm.at[rowv.at[j0 + 2]], gbuf0, sem)

                pltpu.sync_copy(gbuf1, acc_sh.at[colv.at[j0 + 1]], add=True)
                return c2

            lax.fori_loop(0, seg // 2, body, 0)
            return carry

        lax.fori_loop(0, nseg, seg_body, 0)
        plsc.subcore_barrier()
        pltpu.sync_copy(acc_sh.at[pl.ds(s * SLICE, SLICE)],
                        out_hbm.at[c, pl.ds(s * SLICE, SLICE)])

    return agg_k(hs, rowi, coli, zeros128)


def _dis_col(dp_ref):
    dvals = dp_ref[0]
    deg = dvals[0:1, :] + dvals[1:2, :] + 1.0
    return jnp.transpose(lax.rsqrt(deg), (1, 0))


def _first_tc(dp3, x, W1):
    def body(dp_ref, x_ref, w_ref, hs_ref):
        dis = _dis_col(dp_ref)
        h = jnp.dot(x_ref[...], w_ref[...], preferred_element_type=jnp.float32)
        hs_ref[...] = h * dis

    return pl.pallas_call(
        body,
        grid=(GRID,),
        in_specs=[
            pl.BlockSpec((1, NC, BLK), lambda i: (i, 0, 0)),
            pl.BlockSpec((BLK, FEAT), lambda i: (i, 0)),
            pl.BlockSpec((FEAT, FEAT), lambda i: (0, 0)),
        ],
        out_specs=pl.BlockSpec((BLK, FEAT), lambda i: (i, 0)),
        out_shape=jax.ShapeDtypeStruct((N_NODES, FEAT), jnp.float32),
    )(dp3, x, W1)


def _mid_tc(accp, hs, dp3, b, W):
    def body(accp_ref, hs_ref, dp_ref, b_ref, w_ref, out_ref):
        dis = _dis_col(dp_ref)
        agg = accp_ref[0] + accp_ref[1] + hs_ref[...]
        xn = jnp.maximum(dis * agg + b_ref[...], 0.0)
        h = jnp.dot(xn, w_ref[...], preferred_element_type=jnp.float32)
        out_ref[...] = h * dis

    return pl.pallas_call(
        body,
        grid=(GRID,),
        in_specs=[
            pl.BlockSpec((NC, BLK, FEAT), lambda i: (0, i, 0)),
            pl.BlockSpec((BLK, FEAT), lambda i: (i, 0)),
            pl.BlockSpec((1, NC, BLK), lambda i: (i, 0, 0)),
            pl.BlockSpec((1, FEAT), lambda i: (0, 0)),
            pl.BlockSpec((FEAT, FEAT), lambda i: (0, 0)),
        ],
        out_specs=pl.BlockSpec((BLK, FEAT), lambda i: (i, 0)),
        out_shape=jax.ShapeDtypeStruct((N_NODES, FEAT), jnp.float32),
    )(accp, hs, dp3, b, W)


def _final_tc(accp, hs, dp3, b, batch3, Wf1, bf1, Wf2, bf2):
    h3 = Wf1.shape[1]
    nout = Wf2.shape[1]

    def body(accp_ref, hs_ref, dp_ref, b_ref, batch_ref,
             wf1_ref, bf1_ref, wf2_ref, bf2_ref, out_ref, pooled, counts):
        i = pl.program_id(0)

        @pl.when(i == 0)
        def _():
            pooled[...] = jnp.zeros_like(pooled)
            counts[...] = jnp.zeros_like(counts)

        dis = _dis_col(dp_ref)
        agg = accp_ref[0] + accp_ref[1] + hs_ref[...]
        x3 = jnp.maximum(dis * agg + b_ref[...], 0.0)
        batch_row = batch_ref[0]
        giota = lax.broadcasted_iota(jnp.int32, (N_GRAPHS, BLK), 0)
        onehot_t = (giota == batch_row).astype(jnp.float32)
        pooled[...] += lax.dot_general(
            onehot_t, x3, (((1,), (0,)), ((), ())),
            preferred_element_type=jnp.float32)
        counts[...] += jnp.broadcast_to(
            jnp.sum(onehot_t, axis=1, keepdims=True), (N_GRAPHS, FEAT))

        @pl.when(i == GRID - 1)
        def _():
            mean = pooled[...] / jnp.maximum(counts[...], 1.0)
            hmid = jnp.dot(mean, wf1_ref[...],
                           preferred_element_type=jnp.float32) + bf1_ref[...]
            out_ref[...] = jnp.dot(hmid, wf2_ref[...],
                                   preferred_element_type=jnp.float32) + bf2_ref[...]

    return pl.pallas_call(
        body,
        grid=(GRID,),
        in_specs=[
            pl.BlockSpec((NC, BLK, FEAT), lambda i: (0, i, 0)),
            pl.BlockSpec((BLK, FEAT), lambda i: (i, 0)),
            pl.BlockSpec((1, NC, BLK), lambda i: (i, 0, 0)),
            pl.BlockSpec((1, FEAT), lambda i: (0, 0)),
            pl.BlockSpec((1, 1, BLK), lambda i: (i, 0, 0)),
            pl.BlockSpec((FEAT, h3), lambda i: (0, 0)),
            pl.BlockSpec((1, h3), lambda i: (0, 0)),
            pl.BlockSpec((h3, nout), lambda i: (0, 0)),
            pl.BlockSpec((1, nout), lambda i: (0, 0)),
        ],
        out_specs=pl.BlockSpec((N_GRAPHS, nout), lambda i: (0, 0)),
        out_shape=jax.ShapeDtypeStruct((N_GRAPHS, nout), jnp.float32),
        scratch_shapes=[
            pltpu.VMEM((N_GRAPHS, FEAT), jnp.float32),
            pltpu.VMEM((N_GRAPHS, FEAT), jnp.float32),
        ],
    )(accp, hs, dp3, b, batch3, Wf1, bf1, Wf2, bf2)


def kernel(x, edge_index, batch, W1, b1, W2, b2, Wf1, bf1, Wf2, bf2):
    row = edge_index[0]
    col = edge_index[1]
    n_edges = row.shape[0]
    quantum = NW * 128 * 8
    ep = ((n_edges + quantum - 1) // quantum) * quantum
    pad = ep - n_edges
    pad_iota = jnp.arange(pad, dtype=jnp.int32)
    rowp = jnp.concatenate(
        [row, pad_iota % N_NODES]).reshape(ep // 128, 128)
    colp = jnp.concatenate(
        [col, N_NODES + pad_iota % (NP - N_NODES)]).reshape(ep // 128, 128)

    zeros1d = jnp.zeros((10240,), jnp.float32)
    zeros128 = jnp.zeros((SLICE, FEAT), jnp.float32)
    b1r = b1.reshape(1, FEAT)
    b2r = b2.reshape(1, FEAT)
    bf1r = bf1.reshape(1, -1)
    bf2r = bf2.reshape(1, -1)
    batch3 = batch.reshape(GRID, 1, BLK)

    degp = _deg_call(colp, zeros1d)
    dp3 = (degp.reshape(NC, 10240)[:, :N_NODES]
           .reshape(NC, GRID, BLK).transpose(1, 0, 2))
    hs1 = _first_tc(dp3, x, W1)
    a1 = _agg_call(hs1, rowp, colp, zeros128)
    hs2 = _mid_tc(a1, hs1, dp3, b1r, W2)
    a2 = _agg_call(hs2, rowp, colp, zeros128)
    return _final_tc(a2, hs2, dp3, b2r, batch3, Wf1, bf1r, Wf2, bf2r)

# --- scband reference (transcript-rebuilt; emitter-appended) ---
"""Pipeline reference for scband-gcn-73959336837366 (READ-ONLY COPY).

The authoritative reference and input builder live on the scoring server;
editing this copy changes nothing except your own understanding.
"""

import jax, jax.numpy as jnp
import numpy as np

N = 10000
E = 320000
D = 128
H1 = 128
H2 = 128
H3 = 64
OUT = 10
G = 64


def setup_inputs(seed: int = 0) -> dict:
    key = jax.random.key(seed)
    ks = jax.random.split(key, 12)
    x = jax.random.normal(ks[0], (N, D), dtype=jnp.float32)
    edge_index = jax.random.randint(ks[1], (2, E), 0, N, dtype=jnp.int32)
    batch = jnp.sort(jax.random.randint(ks[2], (N,), 0, G, dtype=jnp.int32))
    W1 = jax.random.normal(ks[3], (D, H1), dtype=jnp.float32) * (1.0 / np.sqrt(D))
    b1 = jnp.zeros((H1,), dtype=jnp.float32)
    W2 = jax.random.normal(ks[4], (H1, H2), dtype=jnp.float32) * (1.0 / np.sqrt(H1))
    b2 = jnp.zeros((H2,), dtype=jnp.float32)
    Wf1 = jax.random.normal(ks[5], (H2, H3), dtype=jnp.float32) * (1.0 / np.sqrt(H2))
    bf1 = jnp.zeros((H3,), dtype=jnp.float32)
    Wf2 = jax.random.normal(ks[6], (H3, OUT), dtype=jnp.float32) * (1.0 / np.sqrt(H3))
    bf2 = jnp.zeros((OUT,), dtype=jnp.float32)
    return {"x": x, "edge_index": edge_index, "batch": batch,
            "W1": W1, "b1": b1, "W2": W2, "b2": b2,
            "Wf1": Wf1, "bf1": bf1, "Wf2": Wf2, "bf2": bf2}


def gcn_conv(x, edge_index, W, b, num_nodes):
    # PyG GCNConv: add self-loops, symmetric normalization, scatter-add aggregation
    loops = jnp.arange(num_nodes, dtype=edge_index.dtype)
    row = jnp.concatenate([edge_index[0], loops])
    col = jnp.concatenate([edge_index[1], loops])
    deg = jnp.zeros((num_nodes,), dtype=x.dtype).at[col].add(1.0)
    deg_inv_sqrt = jnp.where(deg > 0, 1.0 / jnp.sqrt(deg), 0.0)
    norm = deg_inv_sqrt[row] * deg_inv_sqrt[col]
    h = x @ W
    msg = h[row] * norm[:, None]
    out = jnp.zeros((num_nodes, W.shape[1]), dtype=x.dtype).at[col].add(msg)
    return out + b


def global_mean_pool(x, batch, num_graphs):
    sums = jax.ops.segment_sum(x, batch, num_segments=num_graphs)
    counts = jax.ops.segment_sum(jnp.ones((x.shape[0],), dtype=x.dtype), batch, num_segments=num_graphs)
    counts = jnp.maximum(counts, 1.0)
    return sums / counts[:, None]


def reference(x, edge_index, batch, W1, b1, W2, b2, Wf1, bf1, Wf2, bf2):
    h = jax.nn.relu(gcn_conv(x, edge_index, W1, b1, N))
    h = jax.nn.relu(gcn_conv(h, edge_index, W2, b2, N))
    h = global_mean_pool(h, batch, G)
    h = h @ Wf1 + bf1
    out = h @ Wf2 + bf2
    return out

if __name__ == "__main__":
    import jax
    _d = setup_inputs()
    print(jax.jit(kernel)(*tuple(_d.values())))

</pallas_src>

<mosaic_0001>
#map = affine_map<(d0, d1) -> (0, 0)>
#map1 = affine_map<(d0, d1) -> (0, 0, 0)>
module attributes {stable_mosaic.version = 14 : i64} {
  func.func @agg_k(%arg0: i32, %arg1: i32, %arg2: memref<10000x128xf32, #tpu.memory_space<hbm>>, %arg3: memref<2560x128xi32, #tpu.memory_space<hbm>>, %arg4: memref<2560x128xi32, #tpu.memory_space<hbm>>, %arg5: memref<632x128xf32, #tpu.memory_space<hbm>>, %arg6: memref<2x10112x128xf32, #tpu.memory_space<hbm>>, %arg7: memref<40x128xi32, #tpu.memory_space<vmem>>, %arg8: memref<40x128xi32, #tpu.memory_space<vmem>>, %arg9: memref<128x128xf32, #tpu.memory_space<vmem>>, %arg10: memref<128x128xf32, #tpu.memory_space<vmem>>, %arg11: memref<10112x128xf32, #tpu.memory_space<vmem_shared>>, %arg12: memref<!tpu.dma_semaphore, #tpu.memory_space<semaphore_mem>>) attributes {dimension_semantics = [#tpu.dimension_semantics<core_parallel>, #tpu.dimension_semantics<subcore_parallel>], iteration_bounds = array<i64: 2, 16>, scalar_prefetch = 0 : i64, scratch_operands = 6 : i64, tpu.core_type = #tpu.core_type<sc_vector_subcore>, window_params = [{transform_indices = #map}, {transform_indices = #map}, {transform_indices = #map}, {transform_indices = #map}, {transform_indices = #map1}]} {
    %mul3A = arith.constant 16 : i32
    %mul3A_0 = arith.muli %arg0, %mul3A : i32
    %add3A = arith.addi %mul3A_0, %arg1 : i32
    %mul3A_1 = arith.constant 632 : i32
    %mul3A_2 = arith.muli %arg1, %mul3A_1 : i32
    "tpu.region"() ({
      %run_scoped3A = tpu.sem_alloc : memref<!tpu.dma_semaphore, #tpu.memory_space<semaphore_mem>>
      %dma_start3A = arith.constant 0 : i32
      %dma_start3A_13 = tpu.memref_slice %arg11[%mul3A_2, %dma_start3A] : memref<10112x128xf32, #tpu.memory_space<vmem_shared>> -> memref<632x128xf32, #tpu.memory_space<vmem_shared>>
      tpu.enqueue_dma source(%arg5 : memref<632x128xf32, #tpu.memory_space<hbm>>) target(%dma_start3A_13 : memref<632x128xf32, #tpu.memory_space<vmem_shared>>) target_semaphore(%run_scoped3A : memref<!tpu.dma_semaphore, #tpu.memory_space<semaphore_mem>>)
      %dma_wait3A = arith.constant 0 : i32
      %dma_wait3A_14 = tpu.memref_slice %arg11[%mul3A_2, %dma_wait3A] : memref<10112x128xf32, #tpu.memory_space<vmem_shared>> -> memref<632x128xf32, #tpu.memory_space<vmem_shared>>
      tpu.wait_dma2 semaphore(%run_scoped3A : memref<!tpu.dma_semaphore, #tpu.memory_space<semaphore_mem>>) src(%arg5 : memref<632x128xf32, #tpu.memory_space<hbm>>) dst(%dma_wait3A_14 : memref<632x128xf32, #tpu.memory_space<vmem_shared>>)
      tpu.yield
    }) : () -> ()
    %barrier3A = arith.constant 0 : index
    tpu.barrier barrier_id(%barrier3A)
    %scan3A = arith.constant 0 : i32
    %scan3A_3 = arith.constant 0 : i32
    %scan3A_4 = arith.constant 2 : i32
    %scan3A_5 = arith.addi %scan3A_3, %scan3A_4 : i32
    %scan3A_6 = arith.constant 1 : i32
    scf.for %scan3A_13 = %scan3A_3 to %scan3A_5 step %scan3A_6  : i32 {
      %mul3A_14 = arith.constant 80 : i32
      %mul3A_15 = arith.muli %add3A, %mul3A_14 : i32
      %mul3A_16 = arith.constant 40 : i32
      %mul3A_17 = arith.muli %scan3A_13, %mul3A_16 : i32
      %add3A_18 = arith.addi %mul3A_15, %mul3A_17 : i32
      "tpu.region"() ({
        %run_scoped3A = tpu.sem_alloc : memref<!tpu.dma_semaphore, #tpu.memory_space<semaphore_mem>>
        %dma_start3A_31 = arith.constant 0 : i32
        %dma_start3A_32 = tpu.memref_slice %arg3[%add3A_18, %dma_start3A_31] : memref<2560x128xi32, #tpu.memory_space<hbm>> -> memref<40x128xi32, #tpu.memory_space<hbm>>
        %dma_start3A_33 = arith.constant 0 : i32
        %dma_start3A_34 = tpu.memref_slice %arg3[%add3A_18, %dma_start3A_33] : memref<2560x128xi32, #tpu.memory_space<hbm>> -> memref<40x128xi32, #tpu.memory_space<hbm>>
        tpu.enqueue_dma source(%dma_start3A_34 : memref<40x128xi32, #tpu.memory_space<hbm>>) target(%arg7 : memref<40x128xi32, #tpu.memory_space<vmem>>) target_semaphore(%run_scoped3A : memref<!tpu.dma_semaphore, #tpu.memory_space<semaphore_mem>>)
        %dma_wait3A = arith.constant 0 : i32
        %dma_wait3A_35 = tpu.memref_slice %arg3[%add3A_18, %dma_wait3A] : memref<2560x128xi32, #tpu.memory_space<hbm>> -> memref<40x128xi32, #tpu.memory_space<hbm>>
        %dma_wait3A_36 = arith.constant 0 : i32
        %dma_wait3A_37 = tpu.memref_slice %arg3[%add3A_18, %dma_wait3A_36] : memref<2560x128xi32, #tpu.memory_space<hbm>> -> memref<40x128xi32, #tpu.memory_space<hbm>>
        tpu.wait_dma2 semaphore(%run_scoped3A : memref<!tpu.dma_semaphore, #tpu.memory_space<semaphore_mem>>) src(%dma_wait3A_37 : memref<40x128xi32, #tpu.memory_space<hbm>>) dst(%arg7 : memref<40x128xi32, #tpu.memory_space<vmem>>)
        tpu.yield
      }) : () -> ()
      "tpu.region"() ({
        %run_scoped3A = tpu.sem_alloc : memref<!tpu.dma_semaphore, #tpu.memory_space<semaphore_mem>>
        %dma_start3A_31 = arith.constant 0 : i32
        %dma_start3A_32 = tpu.memref_slice %arg4[%add3A_18, %dma_start3A_31] : memref<2560x128xi32, #tpu.memory_space<hbm>> -> memref<40x128xi32, #tpu.memory_space<hbm>>
        %dma_start3A_33 = arith.constant 0 : i32
        %dma_start3A_34 = tpu.memref_slice %arg4[%add3A_18, %dma_start3A_33] : memref<2560x128xi32, #tpu.memory_space<hbm>> -> memref<40x128xi32, #tpu.memory_space<hbm>>
        tpu.enqueue_dma source(%dma_start3A_34 : memref<40x128xi32, #tpu.memory_space<hbm>>) target(%arg8 : memref<40x128xi32, #tpu.memory_space<vmem>>) target_semaphore(%run_scoped3A : memref<!tpu.dma_semaphore, #tpu.memory_space<semaphore_mem>>)
        %dma_wait3A = arith.constant 0 : i32
        %dma_wait3A_35 = tpu.memref_slice %arg4[%add3A_18, %dma_wait3A] : memref<2560x128xi32, #tpu.memory_space<hbm>> -> memref<40x128xi32, #tpu.memory_space<hbm>>
        %dma_wait3A_36 = arith.constant 0 : i32
        %dma_wait3A_37 = tpu.memref_slice %arg4[%add3A_18, %dma_wait3A_36] : memref<2560x128xi32, #tpu.memory_space<hbm>> -> memref<40x128xi32, #tpu.memory_space<hbm>>
        tpu.wait_dma2 semaphore(%run_scoped3A : memref<!tpu.dma_semaphore, #tpu.memory_space<semaphore_mem>>) src(%dma_wait3A_37 : memref<40x128xi32, #tpu.memory_space<hbm>>) dst(%arg8 : memref<40x128xi32, #tpu.memory_space<vmem>>)
        tpu.yield
      }) : () -> ()
      %dma_start3A = arith.constant 0 : i32
      %dma_start3A_19 = arith.constant 0 : i32
      %dma_start3A_20 = tpu.memref_slice %arg7[%dma_start3A, %dma_start3A_19] : memref<40x128xi32, #tpu.memory_space<vmem>> -> memref<1x128xi32, #tpu.memory_space<vmem>>
      %dma_start3A_21 = tpu.memref_squeeze %dma_start3A_20 : memref<1x128xi32, #tpu.memory_space<vmem>> -> memref<128xi32, #tpu.memory_space<vmem>>
      %dma_start3A_22 = arith.constant 0 : i32
      %dma_start3A_23 = arith.constant 0 : i32
      %dma_start3A_24 = tpu.memref_slice %arg2[%dma_start3A_22, %dma_start3A_23] : memref<10000x128xf32, #tpu.memory_space<hbm>> -> memref<10000x128xf32, #tpu.memory_space<hbm>>
      tpu.enqueue_indirect_dma source(%dma_start3A_24 : memref<10000x128xf32, #tpu.memory_space<hbm>>) target(%arg9 : memref<128x128xf32, #tpu.memory_space<vmem>>) offsets(%dma_start3A_21 : memref<128xi32, #tpu.memory_space<vmem>>) semaphore(%arg12 : memref<!tpu.dma_semaphore, #tpu.memory_space<semaphore_mem>>)
      %scan3A_25 = arith.constant 0 : i32
      %scan3A_26 = arith.constant 0 : i32
      %scan3A_27 = arith.constant 20 : i32
      %scan3A_28 = arith.addi %scan3A_26, %scan3A_27 : i32
      %scan3A_29 = arith.constant 1 : i32
      scf.for %scan3A_31 = %scan3A_26 to %scan3A_28 step %scan3A_29  : i32 {
        %mul3A_32 = arith.constant 2 : i32
        %mul3A_33 = arith.muli %scan3A_31, %mul3A_32 : i32
        %dma_wait3A = arith.constant 0 : i32
        %dma_wait3A_34 = arith.constant 0 : i32
        %dma_wait3A_35 = tpu.memref_slice %arg7[%dma_wait3A, %dma_wait3A_34] : memref<40x128xi32, #tpu.memory_space<vmem>> -> memref<1x128xi32, #tpu.memory_space<vmem>>
        %dma_wait3A_36 = tpu.memref_squeeze %dma_wait3A_35 : memref<1x128xi32, #tpu.memory_space<vmem>> -> memref<128xi32, #tpu.memory_space<vmem>>
        %dma_wait3A_37 = arith.constant 0 : i32
        %dma_wait3A_38 = arith.constant 0 : i32
        %dma_wait3A_39 = tpu.memref_slice %arg2[%dma_wait3A_37, %dma_wait3A_38] : memref<10000x128xf32, #tpu.memory_space<hbm>> -> memref<10000x128xf32, #tpu.memory_space<hbm>>
        tpu.wait_indirect_dma semaphore(%arg12 : memref<!tpu.dma_semaphore, #tpu.memory_space<semaphore_mem>>) src(%dma_wait3A_39 : memref<10000x128xf32, #tpu.memory_space<hbm>>) dst(%arg9 : memref<128x128xf32, #tpu.memory_space<vmem>>)
        %add3A_40 = arith.constant 1 : i32
        %add3A_41 = arith.addi %mul3A_33, %add3A_40 : i32
        %dma_start3A_42 = arith.constant 0 : i32
        %dma_start3A_43 = tpu.memref_slice %arg7[%add3A_41, %dma_start3A_42] : memref<40x128xi32, #tpu.memory_space<vmem>> -> memref<1x128xi32, #tpu.memory_space<vmem>>
        %dma_start3A_44 = tpu.memref_squeeze %dma_start3A_43 : memref<1x128xi32, #tpu.memory_space<vmem>> -> memref<128xi32, #tpu.memory_space<vmem>>
        %dma_start3A_45 = arith.constant 0 : i32
        %dma_start3A_46 = arith.constant 0 : i32
        %dma_start3A_47 = tpu.memref_slice %arg2[%dma_start3A_45, %dma_start3A_46] : memref<10000x128xf32, #tpu.memory_space<hbm>> -> memref<10000x128xf32, #tpu.memory_space<hbm>>
        tpu.enqueue_indirect_dma source(%dma_start3A_47 : memref<10000x128xf32, #tpu.memory_space<hbm>>) target(%arg10 : memref<128x128xf32, #tpu.memory_space<vmem>>) offsets(%dma_start3A_44 : memref<128xi32, #tpu.memory_space<vmem>>) semaphore(%arg12 : memref<!tpu.dma_semaphore, #tpu.memory_space<semaphore_mem>>)
        "tpu.region"() ({
          %run_scoped3A = tpu.sem_alloc : memref<!tpu.dma_semaphore, #tpu.memory_space<semaphore_mem>>
          %dma_start3A_61 = arith.constant 0 : i32
          %dma_start3A_62 = tpu.memref_slice %arg8[%mul3A_33, %dma_start3A_61] : memref<40x128xi32, #tpu.memory_space<vmem>> -> memref<1x128xi32, #tpu.memory_space<vmem>>
          %dma_start3A_63 = tpu.memref_squeeze %dma_start3A_62 : memref<1x128xi32, #tpu.memory_space<vmem>> -> memref<128xi32, #tpu.memory_space<vmem>>
          %dma_start3A_64 = arith.constant 0 : i32
          %dma_start3A_65 = arith.constant 0 : i32
          %dma_start3A_66 = tpu.memref_slice %arg11[%dma_start3A_64, %dma_start3A_65] : memref<10112x128xf32, #tpu.memory_space<vmem_shared>> -> memref<10112x128xf32, #tpu.memory_space<vmem_shared>>
          tpu.enqueue_indirect_dma source(%arg9 : memref<128x128xf32, #tpu.memory_space<vmem>>) target(%dma_start3A_66 : memref<10112x128xf32, #tpu.memory_space<vmem_shared>>) offsets(%dma_start3A_63 : memref<128xi32, #tpu.memory_space<vmem>>) semaphore(%run_scoped3A : memref<!tpu.dma_semaphore, #tpu.memory_space<semaphore_mem>>) {add = true}
          %dma_wait3A_67 = arith.constant 0 : i32
          %dma_wait3A_68 = tpu.memref_slice %arg8[%mul3A_33, %dma_wait3A_67] : memref<40x128xi32, #tpu.memory_space<vmem>> -> memref<1x128xi32, #tpu.memory_space<vmem>>
          %dma_wait3A_69 = tpu.memref_squeeze %dma_wait3A_68 : memref<1x128xi32, #tpu.memory_space<vmem>> -> memref<128xi32, #tpu.memory_space<vmem>>
          %dma_wait3A_70 = arith.constant 0 : i32
          %dma_wait3A_71 = arith.constant 0 : i32
          %dma_wait3A_72 = tpu.memref_slice %arg11[%dma_wait3A_70, %dma_wait3A_71] : memref<10112x128xf32, #tpu.memory_space<vmem_shared>> -> memref<10112x128xf32, #tpu.memory_space<vmem_shared>>
          tpu.wait_indirect_dma semaphore(%run_scoped3A : memref<!tpu.dma_semaphore, #tpu.memory_space<semaphore_mem>>) src(%arg9 : memref<128x128xf32, #tpu.memory_space<vmem>>) dst(%dma_wait3A_72 : memref<10112x128xf32, #tpu.memory_space<vmem_shared>>)
          tpu.yield
        }) : () -> ()
        %dma_wait3A_48 = arith.constant 0 : i32
        %dma_wait3A_49 = arith.constant 0 : i32
        %dma_wait3A_50 = tpu.memref_slice %arg7[%dma_wait3A_48, %dma_wait3A_49] : memref<40x128xi32, #tpu.memory_space<vmem>> -> memref<1x128xi32, #tpu.memory_space<vmem>>
        %dma_wait3A_51 = tpu.memref_squeeze %dma_wait3A_50 : memref<1x128xi32, #tpu.memory_space<vmem>> -> memref<128xi32, #tpu.memory_space<vmem>>
        %dma_wait3A_52 = arith.constant 0 : i32
        %dma_wait3A_53 = arith.constant 0 : i32
        %dma_wait3A_54 = tpu.memref_slice %arg2[%dma_wait3A_52, %dma_wait3A_53] : memref<10000x128xf32, #tpu.memory_space<hbm>> -> memref<10000x128xf32, #tpu.memory_space<hbm>>
        tpu.wait_indirect_dma semaphore(%arg12 : memref<!tpu.dma_semaphore, #tpu.memory_space<semaphore_mem>>) src(%dma_wait3A_54 : memref<10000x128xf32, #tpu.memory_space<hbm>>) dst(%arg10 : memref<128x128xf32, #tpu.memory_space<vmem>>)
        %add3A_55 = arith.constant 1 : i32
        %add3A_56 = arith.addi %scan3A_31, %add3A_55 : i32
        %lt3A = arith.constant 20 : i32
        %lt3A_57 = arith.cmpi slt, %add3A_56, %lt3A : i32
        %convert_element_type3A = arith.extui %lt3A_57 : i1 to i32
        %cond3A = arith.constant 0 : i32
        %cond3A_58 = arith.cmpi ne, %convert_element_type3A, %cond3A : i32
        scf.if %cond3A_58 {
          %add3A_61 = arith.constant 2 : i32
          %add3A_62 = arith.addi %mul3A_33, %add3A_61 : i32
          %dma_start3A_63 = arith.constant 0 : i32
          %dma_start3A_64 = tpu.memref_slice %arg7[%add3A_62, %dma_start3A_63] : memref<40x128xi32, #tpu.memory_space<vmem>> -> memref<1x128xi32, #tpu.memory_space<vmem>>
          %dma_start3A_65 = tpu.memref_squeeze %dma_start3A_64 : memref<1x128xi32, #tpu.memory_space<vmem>> -> memref<128xi32, #tpu.memory_space<vmem>>
          %dma_start3A_66 = arith.constant 0 : i32
          %dma_start3A_67 = arith.constant 0 : i32
          %dma_start3A_68 = tpu.memref_slice %arg2[%dma_start3A_66, %dma_start3A_67] : memref<10000x128xf32, #tpu.memory_space<hbm>> -> memref<10000x128xf32, #tpu.memory_space<hbm>>
          tpu.enqueue_indirect_dma source(%dma_start3A_68 : memref<10000x128xf32, #tpu.memory_space<hbm>>) target(%arg9 : memref<128x128xf32, #tpu.memory_space<vmem>>) offsets(%dma_start3A_65 : memref<128xi32, #tpu.memory_space<vmem>>) semaphore(%arg12 : memref<!tpu.dma_semaphore, #tpu.memory_space<semaphore_mem>>)
        } else {
        }
        %add3A_59 = arith.constant 1 : i32
        %add3A_60 = arith.addi %mul3A_33, %add3A_59 : i32
        "tpu.region"() ({
          %run_scoped3A = tpu.sem_alloc : memref<!tpu.dma_semaphore, #tpu.memory_space<semaphore_mem>>
          %dma_start3A_61 = arith.constant 0 : i32
          %dma_start3A_62 = tpu.memref_slice %arg8[%add3A_60, %dma_start3A_61] : memref<40x128xi32, #tpu.memory_space<vmem>> -> memref<1x128xi32, #tpu.memory_space<vmem>>
          %dma_start3A_63 = tpu.memref_squeeze %dma_start3A_62 : memref<1x128xi32, #tpu.memory_space<vmem>> -> memref<128xi32, #tpu.memory_space<vmem>>
          %dma_start3A_64 = arith.constant 0 : i32
          %dma_start3A_65 = arith.constant 0 : i32
          %dma_start3A_66 = tpu.memref_slice %arg11[%dma_start3A_64, %dma_start3A_65] : memref<10112x128xf32, #tpu.memory_space<vmem_shared>> -> memref<10112x128xf32, #tpu.memory_space<vmem_shared>>
          tpu.enqueue_indirect_dma source(%arg10 : memref<128x128xf32, #tpu.memory_space<vmem>>) target(%dma_start3A_66 : memref<10112x128xf32, #tpu.memory_space<vmem_shared>>) offsets(%dma_start3A_63 : memref<128xi32, #tpu.memory_space<vmem>>) semaphore(%run_scoped3A : memref<!tpu.dma_semaphore, #tpu.memory_space<semaphore_mem>>) {add = true}
          %dma_wait3A_67 = arith.constant 0 : i32
          %dma_wait3A_68 = tpu.memref_slice %arg8[%add3A_60, %dma_wait3A_67] : memref<40x128xi32, #tpu.memory_space<vmem>> -> memref<1x128xi32, #tpu.memory_space<vmem>>
          %dma_wait3A_69 = tpu.memref_squeeze %dma_wait3A_68 : memref<1x128xi32, #tpu.memory_space<vmem>> -> memref<128xi32, #tpu.memory_space<vmem>>
          %dma_wait3A_70 = arith.constant 0 : i32
          %dma_wait3A_71 = arith.constant 0 : i32
          %dma_wait3A_72 = tpu.memref_slice %arg11[%dma_wait3A_70, %dma_wait3A_71] : memref<10112x128xf32, #tpu.memory_space<vmem_shared>> -> memref<10112x128xf32, #tpu.memory_space<vmem_shared>>
          tpu.wait_indirect_dma semaphore(%run_scoped3A : memref<!tpu.dma_semaphore, #tpu.memory_space<semaphore_mem>>) src(%arg10 : memref<128x128xf32, #tpu.memory_space<vmem>>) dst(%dma_wait3A_72 : memref<10112x128xf32, #tpu.memory_space<vmem_shared>>)
          tpu.yield
        }) : () -> ()
      }
      %scan3A_30 = arith.constant 20 : i32
    }
    %scan3A_7 = arith.constant 2 : i32
    %barrier3A_8 = arith.constant 0 : index
    tpu.barrier barrier_id(%barrier3A_8)
    %mul3A_9 = arith.constant 632 : i32
    %mul3A_10 = arith.muli %arg1, %mul3A_9 : i32
    %mul3A_11 = arith.constant 632 : i32
    %mul3A_12 = arith.muli %arg1, %mul3A_11 : i32
    "tpu.region"() ({
      %run_scoped3A = tpu.sem_alloc : memref<!tpu.dma_semaphore, #tpu.memory_space<semaphore_mem>>
      %dma_start3A = arith.constant 0 : i32
      %dma_start3A_13 = tpu.memref_slice %arg6[%arg0, %mul3A_12, %dma_start3A] : memref<2x10112x128xf32, #tpu.memory_space<hbm>> -> memref<1x632x128xf32, #tpu.memory_space<hbm>>
      %dma_start3A_14 = tpu.memref_squeeze %dma_start3A_13 : memref<1x632x128xf32, #tpu.memory_space<hbm>> -> memref<632x128xf32, #tpu.memory_space<hbm>>
      %dma_start3A_15 = arith.constant 0 : i32
      %dma_start3A_16 = tpu.memref_slice %arg11[%mul3A_10, %dma_start3A_15] : memref<10112x128xf32, #tpu.memory_space<vmem_shared>> -> memref<632x128xf32, #tpu.memory_space<vmem_shared>>
      tpu.enqueue_dma source(%dma_start3A_16 : memref<632x128xf32, #tpu.memory_space<vmem_shared>>) target(%dma_start3A_14 : memref<632x128xf32, #tpu.memory_space<hbm>>) target_semaphore(%run_scoped3A : memref<!tpu.dma_semaphore, #tpu.memory_space<semaphore_mem>>)
      %dma_wait3A = arith.constant 0 : i32
      %dma_wait3A_17 = tpu.memref_slice %arg6[%arg0, %mul3A_12, %dma_wait3A] : memref<2x10112x128xf32, #tpu.memory_space<hbm>> -> memref<1x632x128xf32, #tpu.memory_space<hbm>>
      %dma_wait3A_18 = tpu.memref_squeeze %dma_wait3A_17 : memref<1x632x128xf32, #tpu.memory_space<hbm>> -> memref<632x128xf32, #tpu.memory_space<hbm>>
      %dma_wait3A_19 = arith.constant 0 : i32
      %dma_wait3A_20 = tpu.memref_slice %arg11[%mul3A_10, %dma_wait3A_19] : memref<10112x128xf32, #tpu.memory_space<vmem_shared>> -> memref<632x128xf32, #tpu.memory_space<vmem_shared>>
      tpu.wait_dma2 semaphore(%run_scoped3A : memref<!tpu.dma_semaphore, #tpu.memory_space<semaphore_mem>>) src(%dma_wait3A_20 : memref<632x128xf32, #tpu.memory_space<vmem_shared>>) dst(%dma_wait3A_18 : memref<632x128xf32, #tpu.memory_space<hbm>>)
      tpu.yield
    }) : () -> ()
    return
  }
}

#map = affine_map<(d0, d1) -> (0, 0)>
#map1 = affine_map<(d0, d1) -> (0)>
module attributes {stable_mosaic.version = 14 : i64} {
  func.func @deg_k(%arg0: i32, %arg1: i32, %arg2: memref<2560x128xi32, #tpu.memory_space<hbm>>, %arg3: memref<10240xf32, #tpu.memory_space<hbm>>, %arg4: memref<20480xf32, #tpu.memory_space<hbm>>, %arg5: memref<80x128xi32, #tpu.memory_space<vmem>>, %arg6: memref<128xf32, #tpu.memory_space<vmem>>, %arg7: memref<10240xf32, #tpu.memory_space<vmem_shared>>, %arg8: memref<!tpu.dma_semaphore, #tpu.memory_space<semaphore_mem>>) attributes {dimension_semantics = [#tpu.dimension_semantics<core_parallel>, #tpu.dimension_semantics<subcore_parallel>], iteration_bounds = array<i64: 2, 16>, scalar_prefetch = 0 : i64, scratch_operands = 4 : i64, tpu.core_type = #tpu.core_type<sc_vector_subcore>, window_params = [{transform_indices = #map}, {transform_indices = #map1}, {transform_indices = #map1}]} {
    %mul3A = arith.constant 16 : i32
    %mul3A_0 = arith.muli %arg0, %mul3A : i32
    %add3A = arith.addi %mul3A_0, %arg1 : i32
    %mul3A_1 = arith.constant 640 : i32
    %mul3A_2 = arith.muli %arg1, %mul3A_1 : i32
    %mul3A_3 = arith.constant 640 : i32
    %mul3A_4 = arith.muli %arg1, %mul3A_3 : i32
    "tpu.region"() ({
      %run_scoped3A = tpu.sem_alloc : memref<!tpu.dma_semaphore, #tpu.memory_space<semaphore_mem>>
      %dma_start3A_74 = tpu.memref_slice %arg7[%mul3A_4] : memref<10240xf32, #tpu.memory_space<vmem_shared>> -> memref<640xf32, #tpu.memory_space<vmem_shared>>
      %dma_start3A_75 = tpu.memref_slice %arg3[%mul3A_2] : memref<10240xf32, #tpu.memory_space<hbm>> -> memref<640xf32, #tpu.memory_space<hbm>>
      tpu.enqueue_dma source(%dma_start3A_75 : memref<640xf32, #tpu.memory_space<hbm>>) target(%dma_start3A_74 : memref<640xf32, #tpu.memory_space<vmem_shared>>) target_semaphore(%run_scoped3A : memref<!tpu.dma_semaphore, #tpu.memory_space<semaphore_mem>>)
      %dma_wait3A_76 = tpu.memref_slice %arg7[%mul3A_4] : memref<10240xf32, #tpu.memory_space<vmem_shared>> -> memref<640xf32, #tpu.memory_space<vmem_shared>>
      %dma_wait3A_77 = tpu.memref_slice %arg3[%mul3A_2] : memref<10240xf32, #tpu.memory_space<hbm>> -> memref<640xf32, #tpu.memory_space<hbm>>
      tpu.wait_dma2 semaphore(%run_scoped3A : memref<!tpu.dma_semaphore, #tpu.memory_space<semaphore_mem>>) src(%dma_wait3A_77 : memref<640xf32, #tpu.memory_space<hbm>>) dst(%dma_wait3A_76 : memref<640xf32, #tpu.memory_space<vmem_shared>>)
      tpu.yield
    }) : () -> ()
    %mul3A_5 = arith.constant 80 : i32
    %mul3A_6 = arith.muli %add3A, %mul3A_5 : i32
    "tpu.region"() ({
      %run_scoped3A = tpu.sem_alloc : memref<!tpu.dma_semaphore, #tpu.memory_space<semaphore_mem>>
      %dma_start3A_74 = arith.constant 0 : i32
      %dma_start3A_75 = tpu.memref_slice %arg2[%mul3A_6, %dma_start3A_74] : memref<2560x128xi32, #tpu.memory_space<hbm>> -> memref<80x128xi32, #tpu.memory_space<hbm>>
      %dma_start3A_76 = arith.constant 0 : i32
      %dma_start3A_77 = tpu.memref_slice %arg2[%mul3A_6, %dma_start3A_76] : memref<2560x128xi32, #tpu.memory_space<hbm>> -> memref<80x128xi32, #tpu.memory_space<hbm>>
      tpu.enqueue_dma source(%dma_start3A_77 : memref<80x128xi32, #tpu.memory_space<hbm>>) target(%arg5 : memref<80x128xi32, #tpu.memory_space<vmem>>) target_semaphore(%run_scoped3A : memref<!tpu.dma_semaphore, #tpu.memory_space<semaphore_mem>>)
      %dma_wait3A_78 = arith.constant 0 : i32
      %dma_wait3A_79 = tpu.memref_slice %arg2[%mul3A_6, %dma_wait3A_78] : memref<2560x128xi32, #tpu.memory_space<hbm>> -> memref<80x128xi32, #tpu.memory_space<hbm>>
      %dma_wait3A_80 = arith.constant 0 : i32
      %dma_wait3A_81 = tpu.memref_slice %arg2[%mul3A_6, %dma_wait3A_80] : memref<2560x128xi32, #tpu.memory_space<hbm>> -> memref<80x128xi32, #tpu.memory_space<hbm>>
      tpu.wait_dma2 semaphore(%run_scoped3A : memref<!tpu.dma_semaphore, #tpu.memory_space<semaphore_mem>>) src(%dma_wait3A_81 : memref<80x128xi32, #tpu.memory_space<hbm>>) dst(%arg5 : memref<80x128xi32, #tpu.memory_space<vmem>>)
      tpu.yield
    }) : () -> ()
    %broadcast_in_dim3A = arith.constant 1.000000e+00 : f32
    %broadcast_in_dim3A_7 = vector.broadcast %broadcast_in_dim3A : f32 to vector<16xf32>
    %swap3A = arith.constant 0 : index
    %swap3A_8 = tpu.vector_load %arg6[%swap3A] {strides = array<i32>} : memref<128xf32, #tpu.memory_space<vmem>>, vector<16xf32>,
    %swap3A_9 = vector.shape_cast %swap3A_8 : vector<16xf32> to vector<16xf32>
    %swap3A_10 = vector.shape_cast %broadcast_in_dim3A_7 : vector<16xf32> to vector<16xf32>
    tpu.vector_store %arg6[%swap3A], %swap3A_10 {strides = array<i32>} : memref<128xf32, #tpu.memory_space<vmem>>, vector<16xf32>,
    %broadcast_in_dim3A_11 = arith.constant 1.000000e+00 : f32
    %broadcast_in_dim3A_12 = vector.broadcast %broadcast_in_dim3A_11 : f32 to vector<16xf32>
    %swap3A_13 = arith.constant 16 : index
    %swap3A_14 = tpu.vector_load %arg6[%swap3A_13] {strides = array<i32>} : memref<128xf32, #tpu.memory_space<vmem>>, vector<16xf32>,
    %swap3A_15 = vector.shape_cast %swap3A_14 : vector<16xf32> to vector<16xf32>
    %swap3A_16 = vector.shape_cast %broadcast_in_dim3A_12 : vector<16xf32> to vector<16xf32>
    tpu.vector_store %arg6[%swap3A_13], %swap3A_16 {strides = array<i32>} : memref<128xf32, #tpu.memory_space<vmem>>, vector<16xf32>,
    %broadcast_in_dim3A_17 = arith.constant 1.000000e+00 : f32
    %broadcast_in_dim3A_18 = vector.broadcast %broadcast_in_dim3A_17 : f32 to vector<16xf32>
    %swap3A_19 = arith.constant 32 : index
    %swap3A_20 = tpu.vector_load %arg6[%swap3A_19] {strides = array<i32>} : memref<128xf32, #tpu.memory_space<vmem>>, vector<16xf32>,
    %swap3A_21 = vector.shape_cast %swap3A_20 : vector<16xf32> to vector<16xf32>
    %swap3A_22 = vector.shape_cast %broadcast_in_dim3A_18 : vector<16xf32> to vector<16xf32>
    tpu.vector_store %arg6[%swap3A_19], %swap3A_22 {strides = array<i32>} : memref<128xf32, #tpu.memory_space<vmem>>, vector<16xf32>,
    %broadcast_in_dim3A_23 = arith.constant 1.000000e+00 : f32
    %broadcast_in_dim3A_24 = vector.broadcast %broadcast_in_dim3A_23 : f32 to vector<16xf32>
    %swap3A_25 = arith.constant 48 : index
    %swap3A_26 = tpu.vector_load %arg6[%swap3A_25] {strides = array<i32>} : memref<128xf32, #tpu.memory_space<vmem>>, vector<16xf32>,
    %swap3A_27 = vector.shape_cast %swap3A_26 : vector<16xf32> to vector<16xf32>
    %swap3A_28 = vector.shape_cast %broadcast_in_dim3A_24 : vector<16xf32> to vector<16xf32>
    tpu.vector_store %arg6[%swap3A_25], %swap3A_28 {strides = array<i32>} : memref<128xf32, #tpu.memory_space<vmem>>, vector<16xf32>,
    %broadcast_in_dim3A_29 = arith.constant 1.000000e+00 : f32
    %broadcast_in_dim3A_30 = vector.broadcast %broadcast_in_dim3A_29 : f32 to vector<16xf32>
    %swap3A_31 = arith.constant 64 : index
    %swap3A_32 = tpu.vector_load %arg6[%swap3A_31] {strides = array<i32>} : memref<128xf32, #tpu.memory_space<vmem>>, vector<16xf32>,
    %swap3A_33 = vector.shape_cast %swap3A_32 : vector<16xf32> to vector<16xf32>
    %swap3A_34 = vector.shape_cast %broadcast_in_dim3A_30 : vector<16xf32> to vector<16xf32>
    tpu.vector_store %arg6[%swap3A_31], %swap3A_34 {strides = array<i32>} : memref<128xf32, #tpu.memory_space<vmem>>, vector<16xf32>,
    %broadcast_in_dim3A_35 = arith.constant 1.000000e+00 : f32
    %broadcast_in_dim3A_36 = vector.broadcast %broadcast_in_dim3A_35 : f32 to vector<16xf32>
    %swap3A_37 = arith.constant 80 : index
    %swap3A_38 = tpu.vector_load %arg6[%swap3A_37] {strides = array<i32>} : memref<128xf32, #tpu.memory_space<vmem>>, vector<16xf32>,
    %swap3A_39 = vector.shape_cast %swap3A_38 : vector<16xf32> to vector<16xf32>
    %swap3A_40 = vector.shape_cast %broadcast_in_dim3A_36 : vector<16xf32> to vector<16xf32>
    tpu.vector_store %arg6[%swap3A_37], %swap3A_40 {strides = array<i32>} : memref<128xf32, #tpu.memory_space<vmem>>, vector<16xf32>,
    %broadcast_in_dim3A_41 = arith.constant 1.000000e+00 : f32
    %broadcast_in_dim3A_42 = vector.broadcast %broadcast_in_dim3A_41 : f32 to vector<16xf32>
    %swap3A_43 = arith.constant 96 : index
    %swap3A_44 = tpu.vector_load %arg6[%swap3A_43] {strides = array<i32>} : memref<128xf32, #tpu.memory_space<vmem>>, vector<16xf32>,
    %swap3A_45 = vector.shape_cast %swap3A_44 : vector<16xf32> to vector<16xf32>
    %swap3A_46 = vector.shape_cast %broadcast_in_dim3A_42 : vector<16xf32> to vector<16xf32>
    tpu.vector_store %arg6[%swap3A_43], %swap3A_46 {strides = array<i32>} : memref<128xf32, #tpu.memory_space<vmem>>, vector<16xf32>,
    %broadcast_in_dim3A_47 = arith.constant 1.000000e+00 : f32
    %broadcast_in_dim3A_48 = vector.broadcast %broadcast_in_dim3A_47 : f32 to vector<16xf32>
    %swap3A_49 = arith.constant 112 : index
    %swap3A_50 = tpu.vector_load %arg6[%swap3A_49] {strides = array<i32>} : memref<128xf32, #tpu.memory_space<vmem>>, vector<16xf32>,
    %swap3A_51 = vector.shape_cast %swap3A_50 : vector<16xf32> to vector<16xf32>
    %swap3A_52 = vector.shape_cast %broadcast_in_dim3A_48 : vector<16xf32> to vector<16xf32>
    tpu.vector_store %arg6[%swap3A_49], %swap3A_52 {strides = array<i32>} : memref<128xf32, #tpu.memory_space<vmem>>, vector<16xf32>,
    %barrier3A = arith.constant 0 : index
    tpu.barrier barrier_id(%barrier3A)
    %dma_start3A = arith.constant 0 : i32
    %dma_start3A_53 = arith.constant 0 : i32
    %dma_start3A_54 = tpu.memref_slice %arg5[%dma_start3A, %dma_start3A_53] : memref<80x128xi32, #tpu.memory_space<vmem>> -> memref<1x128xi32, #tpu.memory_space<vmem>>
    %dma_start3A_55 = tpu.memref_squeeze %dma_start3A_54 : memref<1x128xi32, #tpu.memory_space<vmem>> -> memref<128xi32, #tpu.memory_space<vmem>>
    %dma_start3A_56 = arith.constant 0 : i32
    %dma_start3A_57 = tpu.memref_slice %arg7[%dma_start3A_56] : memref<10240xf32, #tpu.memory_space<vmem_shared>> -> memref<10240xf32, #tpu.memory_space<vmem_shared>>
    tpu.enqueue_indirect_dma source(%arg6 : memref<128xf32, #tpu.memory_space<vmem>>) target(%dma_start3A_57 : memref<10240xf32, #tpu.memory_space<vmem_shared>>) offsets(%dma_start3A_55 : memref<128xi32, #tpu.memory_space<vmem>>) semaphore(%arg8 : memref<!tpu.dma_semaphore, #tpu.memory_space<semaphore_mem>>) {add = true}
    %scan3A = arith.constant 0 : i32
    %scan3A_58 = arith.constant 1 : i32
    %scan3A_59 = arith.constant 79 : i32
    %scan3A_60 = arith.addi %scan3A_58, %scan3A_59 : i32
    %scan3A_61 = arith.constant 1 : i32
    scf.for %scan3A_74 = %scan3A_58 to %scan3A_60 step %scan3A_61  : i32 {
      %dma_start3A_75 = arith.constant 0 : i32
      %dma_start3A_76 = tpu.memref_slice %arg5[%scan3A_74, %dma_start3A_75] : memref<80x128xi32, #tpu.memory_space<vmem>> -> memref<1x128xi32, #tpu.memory_space<vmem>>
      %dma_start3A_77 = tpu.memref_squeeze %dma_start3A_76 : memref<1x128xi32, #tpu.memory_space<vmem>> -> memref<128xi32, #tpu.memory_space<vmem>>
      %dma_start3A_78 = arith.constant 0 : i32
      %dma_start3A_79 = tpu.memref_slice %arg7[%dma_start3A_78] : memref<10240xf32, #tpu.memory_space<vmem_shared>> -> memref<10240xf32, #tpu.memory_space<vmem_shared>>
      tpu.enqueue_indirect_dma source(%arg6 : memref<128xf32, #tpu.memory_space<vmem>>) target(%dma_start3A_79 : memref<10240xf32, #tpu.memory_space<vmem_shared>>) offsets(%dma_start3A_77 : memref<128xi32, #tpu.memory_space<vmem>>) semaphore(%arg8 : memref<!tpu.dma_semaphore, #tpu.memory_space<semaphore_mem>>) {add = true}
      %dma_wait3A_80 = arith.constant 0 : i32
      %dma_wait3A_81 = tpu.memref_slice %arg3[%dma_wait3A_80] : memref<10240xf32, #tpu.memory_space<hbm>> -> memref<128xf32, #tpu.memory_space<hbm>>
      %dma_wait3A_82 = arith.constant 0 : i32
      %dma_wait3A_83 = tpu.memref_slice %arg3[%dma_wait3A_82] : memref<10240xf32, #tpu.memory_space<hbm>> -> memref<128xf32, #tpu.memory_space<hbm>>
      tpu.wait_dma2 semaphore(%arg8 : memref<!tpu.dma_semaphore, #tpu.memory_space<semaphore_mem>>) src(%dma_wait3A_83 : memref<128xf32, #tpu.memory_space<hbm>>) dst(%arg6 : memref<128xf32, #tpu.memory_space<vmem>>)
    }
    %scan3A_62 = arith.constant 79 : i32
    %dma_wait3A = arith.constant 0 : i32
    %dma_wait3A_63 = tpu.memref_slice %arg3[%dma_wait3A] : memref<10240xf32, #tpu.memory_space<hbm>> -> memref<128xf32, #tpu.memory_space<hbm>>
    %dma_wait3A_64 = arith.constant 0 : i32
    %dma_wait3A_65 = tpu.memref_slice %arg3[%dma_wait3A_64] : memref<10240xf32, #tpu.memory_space<hbm>> -> memref<128xf32, #tpu.memory_space<hbm>>
    tpu.wait_dma2 semaphore(%arg8 : memref<!tpu.dma_semaphore, #tpu.memory_space<semaphore_mem>>) src(%dma_wait3A_65 : memref<128xf32, #tpu.memory_space<hbm>>) dst(%arg6 : memref<128xf32, #tpu.memory_space<vmem>>)
    %barrier3A_66 = arith.constant 0 : index
    tpu.barrier barrier_id(%barrier3A_66)
    %mul3A_67 = arith.constant 640 : i32
    %mul3A_68 = arith.muli %arg1, %mul3A_67 : i32
    %mul3A_69 = arith.constant 10240 : i32
    %mul3A_70 = arith.muli %arg0, %mul3A_69 : i32
    %mul3A_71 = arith.constant 640 : i32
    %mul3A_72 = arith.muli %arg1, %mul3A_71 : i32
    %add3A_73 = arith.addi %mul3A_70, %mul3A_72 : i32
    "tpu.region"() ({
      %run_scoped3A = tpu.sem_alloc : memref<!tpu.dma_semaphore, #tpu.memory_space<semaphore_mem>>
      %dma_start3A_74 = tpu.memref_slice %arg4[%add3A_73] : memref<20480xf32, #tpu.memory_space<hbm>> -> memref<640xf32, #tpu.memory_space<hbm>>
      %dma_start3A_75 = tpu.memref_slice %arg7[%mul3A_68] : memref<10240xf32, #tpu.memory_space<vmem_shared>> -> memref<640xf32, #tpu.memory_space<vmem_shared>>
      tpu.enqueue_dma source(%dma_start3A_75 : memref<640xf32, #tpu.memory_space<vmem_shared>>) target(%dma_start3A_74 : memref<640xf32, #tpu.memory_space<hbm>>) target_semaphore(%run_scoped3A : memref<!tpu.dma_semaphore, #tpu.memory_space<semaphore_mem>>)
      %dma_wait3A_76 = tpu.memref_slice %arg4[%add3A_73] : memref<20480xf32, #tpu.memory_space<hbm>> -> memref<640xf32, #tpu.memory_space<hbm>>
      %dma_wait3A_77 = tpu.memref_slice %arg7[%mul3A_68] : memref<10240xf32, #tpu.memory_space<vmem_shared>> -> memref<640xf32, #tpu.memory_space<vmem_shared>>
      tpu.wait_dma2 semaphore(%run_scoped3A : memref<!tpu.dma_semaphore, #tpu.memory_space<semaphore_mem>>) src(%dma_wait3A_77 : memref<640xf32, #tpu.memory_space<vmem_shared>>) dst(%dma_wait3A_76 : memref<640xf32, #tpu.memory_space<hbm>>)
      tpu.yield
    }) : () -> ()
    return
  }
}

#map = affine_map<(d0, d1) -> (0, 0)>
#map1 = affine_map<(d0, d1) -> (0, 0, 0)>
module attributes {stable_mosaic.version = 14 : i64} {
  func.func @agg_k(%arg0: i32, %arg1: i32, %arg2: memref<10000x128xf32, #tpu.memory_space<hbm>>, %arg3: memref<2560x128xi32, #tpu.memory_space<hbm>>, %arg4: memref<2560x128xi32, #tpu.memory_space<hbm>>, %arg5: memref<632x128xf32, #tpu.memory_space<hbm>>, %arg6: memref<2x10112x128xf32, #tpu.memory_space<hbm>>, %arg7: memref<40x128xi32, #tpu.memory_space<vmem>>, %arg8: memref<40x128xi32, #tpu.memory_space<vmem>>, %arg9: memref<128x128xf32, #tpu.memory_space<vmem>>, %arg10: memref<128x128xf32, #tpu.memory_space<vmem>>, %arg11: memref<10112x128xf32, #tpu.memory_space<vmem_shared>>, %arg12: memref<!tpu.dma_semaphore, #tpu.memory_space<semaphore_mem>>) attributes {dimension_semantics = [#tpu.dimension_semantics<core_parallel>, #tpu.dimension_semantics<subcore_parallel>], iteration_bounds = array<i64: 2, 16>, scalar_prefetch = 0 : i64, scratch_operands = 6 : i64, tpu.core_type = #tpu.core_type<sc_vector_subcore>, window_params = [{transform_indices = #map}, {transform_indices = #map}, {transform_indices = #map}, {transform_indices = #map}, {transform_indices = #map1}]} {
    %mul3A = arith.constant 16 : i32
    %mul3A_0 = arith.muli %arg0, %mul3A : i32
    %add3A = arith.addi %mul3A_0, %arg1 : i32
    %mul3A_1 = arith.constant 632 : i32
    %mul3A_2 = arith.muli %arg1, %mul3A_1 : i32
    "tpu.region"() ({
      %run_scoped3A = tpu.sem_alloc : memref<!tpu.dma_semaphore, #tpu.memory_space<semaphore_mem>>
      %dma_start3A = arith.constant 0 : i32
      %dma_start3A_13 = tpu.memref_slice %arg11[%mul3A_2, %dma_start3A] : memref<10112x128xf32, #tpu.memory_space<vmem_shared>> -> memref<632x128xf32, #tpu.memory_space<vmem_shared>>
      tpu.enqueue_dma source(%arg5 : memref<632x128xf32, #tpu.memory_space<hbm>>) target(%dma_start3A_13 : memref<632x128xf32, #tpu.memory_space<vmem_shared>>) target_semaphore(%run_scoped3A : memref<!tpu.dma_semaphore, #tpu.memory_space<semaphore_mem>>)
      %dma_wait3A = arith.constant 0 : i32
      %dma_wait3A_14 = tpu.memref_slice %arg11[%mul3A_2, %dma_wait3A] : memref<10112x128xf32, #tpu.memory_space<vmem_shared>> -> memref<632x128xf32, #tpu.memory_space<vmem_shared>>
      tpu.wait_dma2 semaphore(%run_scoped3A : memref<!tpu.dma_semaphore, #tpu.memory_space<semaphore_mem>>) src(%arg5 : memref<632x128xf32, #tpu.memory_space<hbm>>) dst(%dma_wait3A_14 : memref<632x128xf32, #tpu.memory_space<vmem_shared>>)
      tpu.yield
    }) : () -> ()
    %barrier3A = arith.constant 0 : index
    tpu.barrier barrier_id(%barrier3A)
    %scan3A = arith.constant 0 : i32
    %scan3A_3 = arith.constant 0 : i32
    %scan3A_4 = arith.constant 2 : i32
    %scan3A_5 = arith.addi %scan3A_3, %scan3A_4 : i32
    %scan3A_6 = arith.constant 1 : i32
    scf.for %scan3A_13 = %scan3A_3 to %scan3A_5 step %scan3A_6  : i32 {
      %mul3A_14 = arith.constant 80 : i32
      %mul3A_15 = arith.muli %add3A, %mul3A_14 : i32
      %mul3A_16 = arith.constant 40 : i32
      %mul3A_17 = arith.muli %scan3A_13, %mul3A_16 : i32
      %add3A_18 = arith.addi %mul3A_15, %mul3A_17 : i32
      "tpu.region"() ({
        %run_scoped3A = tpu.sem_alloc : memref<!tpu.dma_semaphore, #tpu.memory_space<semaphore_mem>>
        %dma_start3A_31 = arith.constant 0 : i32
        %dma_start3A_32 = tpu.memref_slice %arg3[%add3A_18, %dma_start3A_31] : memref<2560x128xi32, #tpu.memory_space<hbm>> -> memref<40x128xi32, #tpu.memory_space<hbm>>
        %dma_start3A_33 = arith.constant 0 : i32
        %dma_start3A_34 = tpu.memref_slice %arg3[%add3A_18, %dma_start3A_33] : memref<2560x128xi32, #tpu.memory_space<hbm>> -> memref<40x128xi32, #tpu.memory_space<hbm>>
        tpu.enqueue_dma source(%dma_start3A_34 : memref<40x128xi32, #tpu.memory_space<hbm>>) target(%arg7 : memref<40x128xi32, #tpu.memory_space<vmem>>) target_semaphore(%run_scoped3A : memref<!tpu.dma_semaphore, #tpu.memory_space<semaphore_mem>>)
        %dma_wait3A = arith.constant 0 : i32
        %dma_wait3A_35 = tpu.memref_slice %arg3[%add3A_18, %dma_wait3A] : memref<2560x128xi32, #tpu.memory_space<hbm>> -> memref<40x128xi32, #tpu.memory_space<hbm>>
        %dma_wait3A_36 = arith.constant 0 : i32
        %dma_wait3A_37 = tpu.memref_slice %arg3[%add3A_18, %dma_wait3A_36] : memref<2560x128xi32, #tpu.memory_space<hbm>> -> memref<40x128xi32, #tpu.memory_space<hbm>>
        tpu.wait_dma2 semaphore(%run_scoped3A : memref<!tpu.dma_semaphore, #tpu.memory_space<semaphore_mem>>) src(%dma_wait3A_37 : memref<40x128xi32, #tpu.memory_space<hbm>>) dst(%arg7 : memref<40x128xi32, #tpu.memory_space<vmem>>)
        tpu.yield
      }) : () -> ()
      "tpu.region"() ({
        %run_scoped3A = tpu.sem_alloc : memref<!tpu.dma_semaphore, #tpu.memory_space<semaphore_mem>>
        %dma_start3A_31 = arith.constant 0 : i32
        %dma_start3A_32 = tpu.memref_slice %arg4[%add3A_18, %dma_start3A_31] : memref<2560x128xi32, #tpu.memory_space<hbm>> -> memref<40x128xi32, #tpu.memory_space<hbm>>
        %dma_start3A_33 = arith.constant 0 : i32
        %dma_start3A_34 = tpu.memref_slice %arg4[%add3A_18, %dma_start3A_33] : memref<2560x128xi32, #tpu.memory_space<hbm>> -> memref<40x128xi32, #tpu.memory_space<hbm>>
        tpu.enqueue_dma source(%dma_start3A_34 : memref<40x128xi32, #tpu.memory_space<hbm>>) target(%arg8 : memref<40x128xi32, #tpu.memory_space<vmem>>) target_semaphore(%run_scoped3A : memref<!tpu.dma_semaphore, #tpu.memory_space<semaphore_mem>>)
        %dma_wait3A = arith.constant 0 : i32
        %dma_wait3A_35 = tpu.memref_slice %arg4[%add3A_18, %dma_wait3A] : memref<2560x128xi32, #tpu.memory_space<hbm>> -> memref<40x128xi32, #tpu.memory_space<hbm>>
        %dma_wait3A_36 = arith.constant 0 : i32
        %dma_wait3A_37 = tpu.memref_slice %arg4[%add3A_18, %dma_wait3A_36] : memref<2560x128xi32, #tpu.memory_space<hbm>> -> memref<40x128xi32, #tpu.memory_space<hbm>>
        tpu.wait_dma2 semaphore(%run_scoped3A : memref<!tpu.dma_semaphore, #tpu.memory_space<semaphore_mem>>) src(%dma_wait3A_37 : memref<40x128xi32, #tpu.memory_space<hbm>>) dst(%arg8 : memref<40x128xi32, #tpu.memory_space<vmem>>)
        tpu.yield
      }) : () -> ()
      %dma_start3A = arith.constant 0 : i32
      %dma_start3A_19 = arith.constant 0 : i32
      %dma_start3A_20 = tpu.memref_slice %arg7[%dma_start3A, %dma_start3A_19] : memref<40x128xi32, #tpu.memory_space<vmem>> -> memref<1x128xi32, #tpu.memory_space<vmem>>
      %dma_start3A_21 = tpu.memref_squeeze %dma_start3A_20 : memref<1x128xi32, #tpu.memory_space<vmem>> -> memref<128xi32, #tpu.memory_space<vmem>>
      %dma_start3A_22 = arith.constant 0 : i32
      %dma_start3A_23 = arith.constant 0 : i32
      %dma_start3A_24 = tpu.memref_slice %arg2[%dma_start3A_22, %dma_start3A_23] : memref<10000x128xf32, #tpu.memory_space<hbm>> -> memref<10000x128xf32, #tpu.memory_space<hbm>>
      tpu.enqueue_indirect_dma source(%dma_start3A_24 : memref<10000x128xf32, #tpu.memory_space<hbm>>) target(%arg9 : memref<128x128xf32, #tpu.memory_space<vmem>>) offsets(%dma_start3A_21 : memref<128xi32, #tpu.memory_space<vmem>>) semaphore(%arg12 : memref<!tpu.dma_semaphore, #tpu.memory_space<semaphore_mem>>)
      %scan3A_25 = arith.constant 0 : i32
      %scan3A_26 = arith.constant 0 : i32
      %scan3A_27 = arith.constant 20 : i32
      %scan3A_28 = arith.addi %scan3A_26, %scan3A_27 : i32
      %scan3A_29 = arith.constant 1 : i32
      scf.for %scan3A_31 = %scan3A_26 to %scan3A_28 step %scan3A_29  : i32 {
        %mul3A_32 = arith.constant 2 : i32
        %mul3A_33 = arith.muli %scan3A_31, %mul3A_32 : i32
        %dma_wait3A = arith.constant 0 : i32
        %dma_wait3A_34 = arith.constant 0 : i32
        %dma_wait3A_35 = tpu.memref_slice %arg7[%dma_wait3A, %dma_wait3A_34] : memref<40x128xi32, #tpu.memory_space<vmem>> -> memref<1x128xi32, #tpu.memory_space<vmem>>
        %dma_wait3A_36 = tpu.memref_squeeze %dma_wait3A_35 : memref<1x128xi32, #tpu.memory_space<vmem>> -> memref<128xi32, #tpu.memory_space<vmem>>
        %dma_wait3A_37 = arith.constant 0 : i32
        %dma_wait3A_38 = arith.constant 0 : i32
        %dma_wait3A_39 = tpu.memref_slice %arg2[%dma_wait3A_37, %dma_wait3A_38] : memref<10000x128xf32, #tpu.memory_space<hbm>> -> memref<10000x128xf32, #tpu.memory_space<hbm>>
        tpu.wait_indirect_dma semaphore(%arg12 : memref<!tpu.dma_semaphore, #tpu.memory_space<semaphore_mem>>) src(%dma_wait3A_39 : memref<10000x128xf32, #tpu.memory_space<hbm>>) dst(%arg9 : memref<128x128xf32, #tpu.memory_space<vmem>>)
        %add3A_40 = arith.constant 1 : i32
        %add3A_41 = arith.addi %mul3A_33, %add3A_40 : i32
        %dma_start3A_42 = arith.constant 0 : i32
        %dma_start3A_43 = tpu.memref_slice %arg7[%add3A_41, %dma_start3A_42] : memref<40x128xi32, #tpu.memory_space<vmem>> -> memref<1x128xi32, #tpu.memory_space<vmem>>
        %dma_start3A_44 = tpu.memref_squeeze %dma_start3A_43 : memref<1x128xi32, #tpu.memory_space<vmem>> -> memref<128xi32, #tpu.memory_space<vmem>>
        %dma_start3A_45 = arith.constant 0 : i32
        %dma_start3A_46 = arith.constant 0 : i32
        %dma_start3A_47 = tpu.memref_slice %arg2[%dma_start3A_45, %dma_start3A_46] : memref<10000x128xf32, #tpu.memory_space<hbm>> -> memref<10000x128xf32, #tpu.memory_space<hbm>>
        tpu.enqueue_indirect_dma source(%dma_start3A_47 : memref<10000x128xf32, #tpu.memory_space<hbm>>) target(%arg10 : memref<128x128xf32, #tpu.memory_space<vmem>>) offsets(%dma_start3A_44 : memref<128xi32, #tpu.memory_space<vmem>>) semaphore(%arg12 : memref<!tpu.dma_semaphore, #tpu.memory_space<semaphore_mem>>)
        "tpu.region"() ({
          %run_scoped3A = tpu.sem_alloc : memref<!tpu.dma_semaphore, #tpu.memory_space<semaphore_mem>>
          %dma_start3A_61 = arith.constant 0 : i32
          %dma_start3A_62 = tpu.memref_slice %arg8[%mul3A_33, %dma_start3A_61] : memref<40x128xi32, #tpu.memory_space<vmem>> -> memref<1x128xi32, #tpu.memory_space<vmem>>
          %dma_start3A_63 = tpu.memref_squeeze %dma_start3A_62 : memref<1x128xi32, #tpu.memory_space<vmem>> -> memref<128xi32, #tpu.memory_space<vmem>>
          %dma_start3A_64 = arith.constant 0 : i32
          %dma_start3A_65 = arith.constant 0 : i32
          %dma_start3A_66 = tpu.memref_slice %arg11[%dma_start3A_64, %dma_start3A_65] : memref<10112x128xf32, #tpu.memory_space<vmem_shared>> -> memref<10112x128xf32, #tpu.memory_space<vmem_shared>>
          tpu.enqueue_indirect_dma source(%arg9 : memref<128x128xf32, #tpu.memory_space<vmem>>) target(%dma_start3A_66 : memref<10112x128xf32, #tpu.memory_space<vmem_shared>>) offsets(%dma_start3A_63 : memref<128xi32, #tpu.memory_space<vmem>>) semaphore(%run_scoped3A : memref<!tpu.dma_semaphore, #tpu.memory_space<semaphore_mem>>) {add = true}
          %dma_wait3A_67 = arith.constant 0 : i32
          %dma_wait3A_68 = tpu.memref_slice %arg8[%mul3A_33, %dma_wait3A_67] : memref<40x128xi32, #tpu.memory_space<vmem>> -> memref<1x128xi32, #tpu.memory_space<vmem>>
          %dma_wait3A_69 = tpu.memref_squeeze %dma_wait3A_68 : memref<1x128xi32, #tpu.memory_space<vmem>> -> memref<128xi32, #tpu.memory_space<vmem>>
          %dma_wait3A_70 = arith.constant 0 : i32
          %dma_wait3A_71 = arith.constant 0 : i32
          %dma_wait3A_72 = tpu.memref_slice %arg11[%dma_wait3A_70, %dma_wait3A_71] : memref<10112x128xf32, #tpu.memory_space<vmem_shared>> -> memref<10112x128xf32, #tpu.memory_space<vmem_shared>>
          tpu.wait_indirect_dma semaphore(%run_scoped3A : memref<!tpu.dma_semaphore, #tpu.memory_space<semaphore_mem>>) src(%arg9 : memref<128x128xf32, #tpu.memory_space<vmem>>) dst(%dma_wait3A_72 : memref<10112x128xf32, #tpu.memory_space<vmem_shared>>)
          tpu.yield
        }) : () -> ()
        %dma_wait3A_48 = arith.constant 0 : i32
        %dma_wait3A_49 = arith.constant 0 : i32
        %dma_wait3A_50 = tpu.memref_slice %arg7[%dma_wait3A_48, %dma_wait3A_49] : memref<40x128xi32, #tpu.memory_space<vmem>> -> memref<1x128xi32, #tpu.memory_space<vmem>>
        %dma_wait3A_51 = tpu.memref_squeeze %dma_wait3A_50 : memref<1x128xi32, #tpu.memory_space<vmem>> -> memref<128xi32, #tpu.memory_space<vmem>>
        %dma_wait3A_52 = arith.constant 0 : i32
        %dma_wait3A_53 = arith.constant 0 : i32
        %dma_wait3A_54 = tpu.memref_slice %arg2[%dma_wait3A_52, %dma_wait3A_53] : memref<10000x128xf32, #tpu.memory_space<hbm>> -> memref<10000x128xf32, #tpu.memory_space<hbm>>
        tpu.wait_indirect_dma semaphore(%arg12 : memref<!tpu.dma_semaphore, #tpu.memory_space<semaphore_mem>>) src(%dma_wait3A_54 : memref<10000x128xf32, #tpu.memory_space<hbm>>) dst(%arg10 : memref<128x128xf32, #tpu.memory_space<vmem>>)
        %add3A_55 = arith.constant 1 : i32
        %add3A_56 = arith.addi %scan3A_31, %add3A_55 : i32
        %lt3A = arith.constant 20 : i32
        %lt3A_57 = arith.cmpi slt, %add3A_56, %lt3A : i32
        %convert_element_type3A = arith.extui %lt3A_57 : i1 to i32
        %cond3A = arith.constant 0 : i32
        %cond3A_58 = arith.cmpi ne, %convert_element_type3A, %cond3A : i32
        scf.if %cond3A_58 {
          %add3A_61 = arith.constant 2 : i32
          %add3A_62 = arith.addi %mul3A_33, %add3A_61 : i32
          %dma_start3A_63 = arith.constant 0 : i32
          %dma_start3A_64 = tpu.memref_slice %arg7[%add3A_62, %dma_start3A_63] : memref<40x128xi32, #tpu.memory_space<vmem>> -> memref<1x128xi32, #tpu.memory_space<vmem>>
          %dma_start3A_65 = tpu.memref_squeeze %dma_start3A_64 : memref<1x128xi32, #tpu.memory_space<vmem>> -> memref<128xi32, #tpu.memory_space<vmem>>
          %dma_start3A_66 = arith.constant 0 : i32
          %dma_start3A_67 = arith.constant 0 : i32
          %dma_start3A_68 = tpu.memref_slice %arg2[%dma_start3A_66, %dma_start3A_67] : memref<10000x128xf32, #tpu.memory_space<hbm>> -> memref<10000x128xf32, #tpu.memory_space<hbm>>
          tpu.enqueue_indirect_dma source(%dma_start3A_68 : memref<10000x128xf32, #tpu.memory_space<hbm>>) target(%arg9 : memref<128x128xf32, #tpu.memory_space<vmem>>) offsets(%dma_start3A_65 : memref<128xi32, #tpu.memory_space<vmem>>) semaphore(%arg12 : memref<!tpu.dma_semaphore, #tpu.memory_space<semaphore_mem>>)
        } else {
        }
        %add3A_59 = arith.constant 1 : i32
        %add3A_60 = arith.addi %mul3A_33, %add3A_59 : i32
        "tpu.region"() ({
          %run_scoped3A = tpu.sem_alloc : memref<!tpu.dma_semaphore, #tpu.memory_space<semaphore_mem>>
          %dma_start3A_61 = arith.constant 0 : i32
          %dma_start3A_62 = tpu.memref_slice %arg8[%add3A_60, %dma_start3A_61] : memref<40x128xi32, #tpu.memory_space<vmem>> -> memref<1x128xi32, #tpu.memory_space<vmem>>
          %dma_start3A_63 = tpu.memref_squeeze %dma_start3A_62 : memref<1x128xi32, #tpu.memory_space<vmem>> -> memref<128xi32, #tpu.memory_space<vmem>>
          %dma_start3A_64 = arith.constant 0 : i32
          %dma_start3A_65 = arith.constant 0 : i32
          %dma_start3A_66 = tpu.memref_slice %arg11[%dma_start3A_64, %dma_start3A_65] : memref<10112x128xf32, #tpu.memory_space<vmem_shared>> -> memref<10112x128xf32, #tpu.memory_space<vmem_shared>>
          tpu.enqueue_indirect_dma source(%arg10 : memref<128x128xf32, #tpu.memory_space<vmem>>) target(%dma_start3A_66 : memref<10112x128xf32, #tpu.memory_space<vmem_shared>>) offsets(%dma_start3A_63 : memref<128xi32, #tpu.memory_space<vmem>>) semaphore(%run_scoped3A : memref<!tpu.dma_semaphore, #tpu.memory_space<semaphore_mem>>) {add = true}
          %dma_wait3A_67 = arith.constant 0 : i32
          %dma_wait3A_68 = tpu.memref_slice %arg8[%add3A_60, %dma_wait3A_67] : memref<40x128xi32, #tpu.memory_space<vmem>> -> memref<1x128xi32, #tpu.memory_space<vmem>>
          %dma_wait3A_69 = tpu.memref_squeeze %dma_wait3A_68 : memref<1x128xi32, #tpu.memory_space<vmem>> -> memref<128xi32, #tpu.memory_space<vmem>>
          %dma_wait3A_70 = arith.constant 0 : i32
          %dma_wait3A_71 = arith.constant 0 : i32
          %dma_wait3A_72 = tpu.memref_slice %arg11[%dma_wait3A_70, %dma_wait3A_71] : memref<10112x128xf32, #tpu.memory_space<vmem_shared>> -> memref<10112x128xf32, #tpu.memory_space<vmem_shared>>
          tpu.wait_indirect_dma semaphore(%run_scoped3A : memref<!tpu.dma_semaphore, #tpu.memory_space<semaphore_mem>>) src(%arg10 : memref<128x128xf32, #tpu.memory_space<vmem>>) dst(%dma_wait3A_72 : memref<10112x128xf32, #tpu.memory_space<vmem_shared>>)
          tpu.yield
        }) : () -> ()
      }
      %scan3A_30 = arith.constant 20 : i32
    }
    %scan3A_7 = arith.constant 2 : i32
    %barrier3A_8 = arith.constant 0 : index
    tpu.barrier barrier_id(%barrier3A_8)
    %mul3A_9 = arith.constant 632 : i32
    %mul3A_10 = arith.muli %arg1, %mul3A_9 : i32
    %mul3A_11 = arith.constant 632 : i32
    %mul3A_12 = arith.muli %arg1, %mul3A_11 : i32
    "tpu.region"() ({
      %run_scoped3A = tpu.sem_alloc : memref<!tpu.dma_semaphore, #tpu.memory_space<semaphore_mem>>
      %dma_start3A = arith.constant 0 : i32
      %dma_start3A_13 = tpu.memref_slice %arg6[%arg0, %mul3A_12, %dma_start3A] : memref<2x10112x128xf32, #tpu.memory_space<hbm>> -> memref<1x632x128xf32, #tpu.memory_space<hbm>>
      %dma_start3A_14 = tpu.memref_squeeze %dma_start3A_13 : memref<1x632x128xf32, #tpu.memory_space<hbm>> -> memref<632x128xf32, #tpu.memory_space<hbm>>
      %dma_start3A_15 = arith.constant 0 : i32
      %dma_start3A_16 = tpu.memref_slice %arg11[%mul3A_10, %dma_start3A_15] : memref<10112x128xf32, #tpu.memory_space<vmem_shared>> -> memref<632x128xf32, #tpu.memory_space<vmem_shared>>
      tpu.enqueue_dma source(%dma_start3A_16 : memref<632x128xf32, #tpu.memory_space<vmem_shared>>) target(%dma_start3A_14 : memref<632x128xf32, #tpu.memory_space<hbm>>) target_semaphore(%run_scoped3A : memref<!tpu.dma_semaphore, #tpu.memory_space<semaphore_mem>>)
      %dma_wait3A = arith.constant 0 : i32
      %dma_wait3A_17 = tpu.memref_slice %arg6[%arg0, %mul3A_12, %dma_wait3A] : memref<2x10112x128xf32, #tpu.memory_space<hbm>> -> memref<1x632x128xf32, #tpu.memory_space<hbm>>
      %dma_wait3A_18 = tpu.memref_squeeze %dma_wait3A_17 : memref<1x632x128xf32, #tpu.memory_space<hbm>> -> memref<632x128xf32, #tpu.memory_space<hbm>>
      %dma_wait3A_19 = arith.constant 0 : i32
      %dma_wait3A_20 = tpu.memref_slice %arg11[%mul3A_10, %dma_wait3A_19] : memref<10112x128xf32, #tpu.memory_space<vmem_shared>> -> memref<632x128xf32, #tpu.memory_space<vmem_shared>>
      tpu.wait_dma2 semaphore(%run_scoped3A : memref<!tpu.dma_semaphore, #tpu.memory_space<semaphore_mem>>) src(%dma_wait3A_20 : memref<632x128xf32, #tpu.memory_space<vmem_shared>>) dst(%dma_wait3A_18 : memref<632x128xf32, #tpu.memory_space<hbm>>)
      tpu.yield
    }) : () -> ()
    return
  }
}

module attributes {stable_mosaic.version = 14 : i64} {
  func.func @body(%arg0: i32, %arg1: memref<1x2x1000xf32, #tpu.memory_space<vmem>>, %arg2: memref<1000x128xf32, #tpu.memory_space<vmem>>, %arg3: memref<128x128xf32, #tpu.memory_space<vmem>>, %arg4: memref<1000x128xf32, #tpu.memory_space<vmem>>) attributes {dimension_semantics = [#tpu.dimension_semantics<arbitrary>], iteration_bounds = array<i64: 10>, scalar_prefetch = 0 : i64, scratch_operands = 0 : i64, tpu.core_type = #tpu.core_type<tc>, window_params = [{transform_indices = @transform_0, window_bounds = array<i64: 1, 2, 1000>}, {transform_indices = @transform_1, window_bounds = array<i64: 1000, 128>}, {pipeline_mode = #tpu.pipeline_mode<synchronous>, transform_indices = @transform_2, window_bounds = array<i64: 128, 128>}, {transform_indices = @transform_3, window_bounds = array<i64: 1000, 128>}]} {
    %get3A = arith.constant 0 : index
    %get3A_0 = arith.constant 0 : index
    %get3A_1 = arith.constant 0 : index
    %get3A_2 = vector.load %arg1[%get3A, %get3A_0, %get3A_1] : memref<1x2x1000xf32, #tpu.memory_space<vmem>>, vector<1x2x1000xf32>
    %get3A_3 = vector.shape_cast %get3A_2 : vector<1x2x1000xf32> to vector<2x1000xf32>
    %slice3A = vector.extract_strided_slice %get3A_3 {offsets = [0, 0], sizes = [1, 1000], strides = [1, 1]} : vector<2x1000xf32> to vector<1x1000xf32>
    %slice3A_4 = vector.extract_strided_slice %get3A_3 {offsets = [1, 0], sizes = [1, 1000], strides = [1, 1]} : vector<2x1000xf32> to vector<1x1000xf32>
    %add3A = arith.addf %slice3A, %slice3A_4 : vector<1x1000xf32>
    %add3A_5 = arith.constant 1.000000e+00 : f32
    %add3A_6 = vector.broadcast %add3A_5 : f32 to vector<1x1000xf32>
    %add3A_7 = arith.addf %add3A, %add3A_6 : vector<1x1000xf32>
    %rsqrt3A = math.rsqrt %add3A_7 : vector<1x1000xf32>
    %transpose3A = tpu.transpose %rsqrt3A, [1, 0] : vector<1x1000xf32> -> vector<1000x1xf32>
    %get3A_8 = arith.constant 0 : index
    %get3A_9 = arith.constant 0 : index
    %get3A_10 = vector.load %arg2[%get3A_8, %get3A_9] : memref<1000x128xf32, #tpu.memory_space<vmem>>, vector<1000x128xf32>
    %get3A_11 = arith.constant 0 : index
    %get3A_12 = arith.constant 0 : index
    %get3A_13 = vector.load %arg3[%get3A_11, %get3A_12] : memref<128x128xf32, #tpu.memory_space<vmem>>, vector<128x128xf32>
    %dot_general3A = arith.constant dense<0.000000e+00> : vector<1000x128xf32>
    %dot_general3A_14 = tpu.matmul %get3A_10, %get3A_13, %dot_general3A {dimension_numbers = #tpu.dot_dimension_numbers<[1], [0], [0], [1], [0, 0, 1, 1], [], []>, transpose_lhs_hint = false} : vector<1000x128xf32>, vector<128x128xf32>, vector<1000x128xf32> -> vector<1000x128xf32>
    %mul3A = vector.broadcast %transpose3A : vector<1000x1xf32> to vector<1000x128xf32>
    %mul3A_15 = arith.mulf %dot_general3A_14, %mul3A : vector<1000x128xf32>
    %swap3A = arith.constant 0 : index
    %swap3A_16 = arith.constant 0 : index
    %swap3A_17 = vector.load %arg4[%swap3A, %swap3A_16] : memref<1000x128xf32, #tpu.memory_space<vmem>>, vector<1000x128xf32>
    tpu.vector_store %arg4[%swap3A, %swap3A_16], %mul3A_15 {strides = array<i32>} : memref<1000x128xf32, #tpu.memory_space<vmem>>, vector<1000x128xf32>,
    return
  }
  func.func @transform_0(%arg0: i32) -> (i32, i32, i32) {
    %c0_i32 = arith.constant 0 : i32
    %c0_i32_0 = arith.constant 0 : i32
    %c0_i32_1 = arith.constant 0 : i32
    return %arg0, %c0_i32, %c0_i32_0 : i32, i32, i32
  }
  func.func @transform_1(%arg0: i32) -> (i32, i32) {
    %c0_i32 = arith.constant 0 : i32
    %c0_i32_0 = arith.constant 0 : i32
    return %arg0, %c0_i32 : i32, i32
  }
  func.func @transform_2(%arg0: i32) -> (i32, i32) {
    %c0_i32 = arith.constant 0 : i32
    %c0_i32_0 = arith.constant 0 : i32
    %c0_i32_1 = arith.constant 0 : i32
    return %c0_i32, %c0_i32_0 : i32, i32
  }
  func.func @transform_3(%arg0: i32) -> (i32, i32) {
    %c0_i32 = arith.constant 0 : i32
    %c0_i32_0 = arith.constant 0 : i32
    return %arg0, %c0_i32 : i32, i32
  }
}

module attributes {stable_mosaic.version = 14 : i64} {
  func.func @body(%arg0: i32, %arg1: memref<2x1000x128xf32, #tpu.memory_space<vmem>>, %arg2: memref<1000x128xf32, #tpu.memory_space<vmem>>, %arg3: memref<1x2x1000xf32, #tpu.memory_space<vmem>>, %arg4: memref<1x128xf32, #tpu.memory_space<vmem>>, %arg5: memref<128x128xf32, #tpu.memory_space<vmem>>, %arg6: memref<1000x128xf32, #tpu.memory_space<vmem>>) attributes {dimension_semantics = [#tpu.dimension_semantics<arbitrary>], iteration_bounds = array<i64: 10>, scalar_prefetch = 0 : i64, scratch_operands = 0 : i64, tpu.core_type = #tpu.core_type<tc>, window_params = [{transform_indices = @transform_0, window_bounds = array<i64: 2, 1000, 128>}, {transform_indices = @transform_1, window_bounds = array<i64: 1000, 128>}, {transform_indices = @transform_2, window_bounds = array<i64: 1, 2, 1000>}, {pipeline_mode = #tpu.pipeline_mode<synchronous>, transform_indices = @transform_3, window_bounds = array<i64: 1, 128>}, {pipeline_mode = #tpu.pipeline_mode<synchronous>, transform_indices = @transform_4, window_bounds = array<i64: 128, 128>}, {transform_indices = @transform_5, window_bounds = array<i64: 1000, 128>}]} {
    %get3A = arith.constant 0 : index
    %get3A_0 = arith.constant 0 : index
    %get3A_1 = arith.constant 0 : index
    %get3A_2 = vector.load %arg3[%get3A, %get3A_0, %get3A_1] : memref<1x2x1000xf32, #tpu.memory_space<vmem>>, vector<1x2x1000xf32>
    %get3A_3 = vector.shape_cast %get3A_2 : vector<1x2x1000xf32> to vector<2x1000xf32>
    %slice3A = vector.extract_strided_slice %get3A_3 {offsets = [0, 0], sizes = [1, 1000], strides = [1, 1]} : vector<2x1000xf32> to vector<1x1000xf32>
    %slice3A_4 = vector.extract_strided_slice %get3A_3 {offsets = [1, 0], sizes = [1, 1000], strides = [1, 1]} : vector<2x1000xf32> to vector<1x1000xf32>
    %add3A = arith.addf %slice3A, %slice3A_4 : vector<1x1000xf32>
    %add3A_5 = arith.constant 1.000000e+00 : f32
    %add3A_6 = vector.broadcast %add3A_5 : f32 to vector<1x1000xf32>
    %add3A_7 = arith.addf %add3A, %add3A_6 : vector<1x1000xf32>
    %rsqrt3A = math.rsqrt %add3A_7 : vector<1x1000xf32>
    %transpose3A = tpu.transpose %rsqrt3A, [1, 0] : vector<1x1000xf32> -> vector<1000x1xf32>
    %get3A_8 = arith.constant 0 : index
    %get3A_9 = arith.constant 0 : index
    %get3A_10 = arith.constant 0 : index
    %get3A_11 = vector.load %arg1[%get3A_8, %get3A_9, %get3A_10] : memref<2x1000x128xf32, #tpu.memory_space<vmem>>, vector<1x1000x128xf32>
    %get3A_12 = vector.shape_cast %get3A_11 : vector<1x1000x128xf32> to vector<1000x128xf32>
    %get3A_13 = arith.constant 1 : index
    %get3A_14 = arith.constant 0 : index
    %get3A_15 = arith.constant 0 : index
    %get3A_16 = vector.load %arg1[%get3A_13, %get3A_14, %get3A_15] : memref<2x1000x128xf32, #tpu.memory_space<vmem>>, vector<1x1000x128xf32>
    %get3A_17 = vector.shape_cast %get3A_16 : vector<1x1000x128xf32> to vector<1000x128xf32>
    %add3A_18 = arith.addf %get3A_12, %get3A_17 : vector<1000x128xf32>
    %get3A_19 = arith.constant 0 : index
    %get3A_20 = arith.constant 0 : index
    %get3A_21 = vector.load %arg2[%get3A_19, %get3A_20] : memref<1000x128xf32, #tpu.memory_space<vmem>>, vector<1000x128xf32>
    %add3A_22 = arith.addf %add3A_18, %get3A_21 : vector<1000x128xf32>
    %mul3A = vector.broadcast %transpose3A : vector<1000x1xf32> to vector<1000x128xf32>
    %mul3A_23 = arith.mulf %mul3A, %add3A_22 : vector<1000x128xf32>
    %get3A_24 = arith.constant 0 : index
    %get3A_25 = arith.constant 0 : index
    %get3A_26 = vector.load %arg4[%get3A_24, %get3A_25] : memref<1x128xf32, #tpu.memory_space<vmem>>, vector<1x128xf32>
    %add3A_27 = vector.broadcast %get3A_26 : vector<1x128xf32> to vector<1000x128xf32>
    %add3A_28 = arith.addf %mul3A_23, %add3A_27 : vector<1000x128xf32>
    %max3A = arith.constant 0.000000e+00 : f32
    %max3A_29 = vector.broadcast %max3A : f32 to vector<1000x128xf32>
    %max3A_30 = arith.maximumf %add3A_28, %max3A_29 : vector<1000x128xf32>
    %get3A_31 = arith.constant 0 : index
    %get3A_32 = arith.constant 0 : index
    %get3A_33 = vector.load %arg5[%get3A_31, %get3A_32] : memref<128x128xf32, #tpu.memory_space<vmem>>, vector<128x128xf32>
    %dot_general3A = arith.constant dense<0.000000e+00> : vector<1000x128xf32>
    %dot_general3A_34 = tpu.matmul %max3A_30, %get3A_33, %dot_general3A {dimension_numbers = #tpu.dot_dimension_numbers<[1], [0], [0], [1], [0, 0, 1, 1], [], []>, transpose_lhs_hint = false} : vector<1000x128xf32>, vector<128x128xf32>, vector<1000x128xf32> -> vector<1000x128xf32>
    %mul3A_35 = vector.broadcast %transpose3A : vector<1000x1xf32> to vector<1000x128xf32>
    %mul3A_36 = arith.mulf %dot_general3A_34, %mul3A_35 : vector<1000x128xf32>
    %swap3A = arith.constant 0 : index
    %swap3A_37 = arith.constant 0 : index
    %swap3A_38 = vector.load %arg6[%swap3A, %swap3A_37] : memref<1000x128xf32, #tpu.memory_space<vmem>>, vector<1000x128xf32>
    tpu.vector_store %arg6[%swap3A, %swap3A_37], %mul3A_36 {strides = array<i32>} : memref<1000x128xf32, #tpu.memory_space<vmem>>, vector<1000x128xf32>,
    return
  }
  func.func @transform_0(%arg0: i32) -> (i32, i32, i32) {
    %c0_i32 = arith.constant 0 : i32
    %c0_i32_0 = arith.constant 0 : i32
    %c0_i32_1 = arith.constant 0 : i32
    return %c0_i32, %arg0, %c0_i32_0 : i32, i32, i32
  }
  func.func @transform_1(%arg0: i32) -> (i32, i32) {
    %c0_i32 = arith.constant 0 : i32
    %c0_i32_0 = arith.constant 0 : i32
    return %arg0, %c0_i32 : i32, i32
  }
  func.func @transform_2(%arg0: i32) -> (i32, i32, i32) {
    %c0_i32 = arith.constant 0 : i32
    %c0_i32_0 = arith.constant 0 : i32
    %c0_i32_1 = arith.constant 0 : i32
    return %arg0, %c0_i32, %c0_i32_0 : i32, i32, i32
  }
  func.func @transform_3(%arg0: i32) -> (i32, i32) {
    %c0_i32 = arith.constant 0 : i32
    %c0_i32_0 = arith.constant 0 : i32
    %c0_i32_1 = arith.constant 0 : i32
    return %c0_i32, %c0_i32_0 : i32, i32
  }
  func.func @transform_4(%arg0: i32) -> (i32, i32) {
    %c0_i32 = arith.constant 0 : i32
    %c0_i32_0 = arith.constant 0 : i32
    %c0_i32_1 = arith.constant 0 : i32
    return %c0_i32, %c0_i32_0 : i32, i32
  }
  func.func @transform_5(%arg0: i32) -> (i32, i32) {
    %c0_i32 = arith.constant 0 : i32
    %c0_i32_0 = arith.constant 0 : i32
    return %arg0, %c0_i32 : i32, i32
  }
}

module attributes {stable_mosaic.version = 14 : i64} {
  func.func @body(%arg0: i32, %arg1: memref<2x1000x128xf32, #tpu.memory_space<vmem>>, %arg2: memref<1000x128xf32, #tpu.memory_space<vmem>>, %arg3: memref<1x2x1000xf32, #tpu.memory_space<vmem>>, %arg4: memref<1x128xf32, #tpu.memory_space<vmem>>, %arg5: memref<1x1x1000xi32, #tpu.memory_space<vmem>>, %arg6: memref<128x64xf32, #tpu.memory_space<vmem>>, %arg7: memref<1x64xf32, #tpu.memory_space<vmem>>, %arg8: memref<64x10xf32, #tpu.memory_space<vmem>>, %arg9: memref<1x10xf32, #tpu.memory_space<vmem>>, %arg10: memref<64x10xf32, #tpu.memory_space<vmem>>, %arg11: memref<64x128xf32, #tpu.memory_space<vmem>>, %arg12: memref<64x128xf32, #tpu.memory_space<vmem>>) attributes {dimension_semantics = [#tpu.dimension_semantics<arbitrary>], iteration_bounds = array<i64: 10>, scalar_prefetch = 0 : i64, scratch_operands = 2 : i64, tpu.core_type = #tpu.core_type<tc>, window_params = [{transform_indices = @transform_0, window_bounds = array<i64: 2, 1000, 128>}, {transform_indices = @transform_1, window_bounds = array<i64: 1000, 128>}, {transform_indices = @transform_2, window_bounds = array<i64: 1, 2, 1000>}, {pipeline_mode = #tpu.pipeline_mode<synchronous>, transform_indices = @transform_3, window_bounds = array<i64: 1, 128>}, {transform_indices = @transform_4, window_bounds = array<i64: 1, 1, 1000>}, {pipeline_mode = #tpu.pipeline_mode<synchronous>, transform_indices = @transform_5, window_bounds = array<i64: 128, 64>}, {pipeline_mode = #tpu.pipeline_mode<synchronous>, transform_indices = @transform_6, window_bounds = array<i64: 1, 64>}, {pipeline_mode = #tpu.pipeline_mode<synchronous>, transform_indices = @transform_7, window_bounds = array<i64: 64, 10>}, {pipeline_mode = #tpu.pipeline_mode<synchronous>, transform_indices = @transform_8, window_bounds = array<i64: 1, 10>}, {pipeline_mode = #tpu.pipeline_mode<synchronous>, transform_indices = @transform_9, window_bounds = array<i64: 64, 10>}]} {
    %eq3A = arith.constant 0 : i32
    %eq3A_0 = arith.cmpi eq, %arg0, %eq3A : i32
    %convert_element_type3A = arith.extui %eq3A_0 : i1 to i32
    %cond3A = arith.constant 0 : i32
    %cond3A_1 = arith.cmpi ne, %convert_element_type3A, %cond3A : i32
    scf.if %cond3A_1 {
      %broadcast_in_dim3A_64 = arith.constant 0.000000e+00 : f32
      %broadcast_in_dim3A_65 = vector.broadcast %broadcast_in_dim3A_64 : f32 to vector<64x128xf32>
      %swap3A_66 = arith.constant 0 : index
      %swap3A_67 = arith.constant 0 : index
      %swap3A_68 = vector.load %arg11[%swap3A_66, %swap3A_67] : memref<64x128xf32, #tpu.memory_space<vmem>>, vector<64x128xf32>
      tpu.vector_store %arg11[%swap3A_66, %swap3A_67], %broadcast_in_dim3A_65 {strides = array<i32>} : memref<64x128xf32, #tpu.memory_space<vmem>>, vector<64x128xf32>,
      %broadcast_in_dim3A_69 = arith.constant 0.000000e+00 : f32
      %broadcast_in_dim3A_70 = vector.broadcast %broadcast_in_dim3A_69 : f32 to vector<64x128xf32>
      %swap3A_71 = arith.constant 0 : index
      %swap3A_72 = arith.constant 0 : index
      %swap3A_73 = vector.load %arg12[%swap3A_71, %swap3A_72] : memref<64x128xf32, #tpu.memory_space<vmem>>, vector<64x128xf32>
      tpu.vector_store %arg12[%swap3A_71, %swap3A_72], %broadcast_in_dim3A_70 {strides = array<i32>} : memref<64x128xf32, #tpu.memory_space<vmem>>, vector<64x128xf32>,
    } else {
    }
    %get3A = arith.constant 0 : index
    %get3A_2 = arith.constant 0 : index
    %get3A_3 = arith.constant 0 : index
    %get3A_4 = vector.load %arg3[%get3A, %get3A_2, %get3A_3] : memref<1x2x1000xf32, #tpu.memory_space<vmem>>, vector<1x2x1000xf32>
    %get3A_5 = vector.shape_cast %get3A_4 : vector<1x2x1000xf32> to vector<2x1000xf32>
    %slice3A = vector.extract_strided_slice %get3A_5 {offsets = [0, 0], sizes = [1, 1000], strides = [1, 1]} : vector<2x1000xf32> to vector<1x1000xf32>
    %slice3A_6 = vector.extract_strided_slice %get3A_5 {offsets = [1, 0], sizes = [1, 1000], strides = [1, 1]} : vector<2x1000xf32> to vector<1x1000xf32>
    %add3A = arith.addf %slice3A, %slice3A_6 : vector<1x1000xf32>
    %add3A_7 = arith.constant 1.000000e+00 : f32
    %add3A_8 = vector.broadcast %add3A_7 : f32 to vector<1x1000xf32>
    %add3A_9 = arith.addf %add3A, %add3A_8 : vector<1x1000xf32>
    %rsqrt3A = math.rsqrt %add3A_9 : vector<1x1000xf32>
    %transpose3A = tpu.transpose %rsqrt3A, [1, 0] : vector<1x1000xf32> -> vector<1000x1xf32>
    %get3A_10 = arith.constant 0 : index
    %get3A_11 = arith.constant 0 : index
    %get3A_12 = arith.constant 0 : index
    %get3A_13 = vector.load %arg1[%get3A_10, %get3A_11, %get3A_12] : memref<2x1000x128xf32, #tpu.memory_space<vmem>>, vector<1x1000x128xf32>
    %get3A_14 = vector.shape_cast %get3A_13 : vector<1x1000x128xf32> to vector<1000x128xf32>
    %get3A_15 = arith.constant 1 : index
    %get3A_16 = arith.constant 0 : index
    %get3A_17 = arith.constant 0 : index
    %get3A_18 = vector.load %arg1[%get3A_15, %get3A_16, %get3A_17] : memref<2x1000x128xf32, #tpu.memory_space<vmem>>, vector<1x1000x128xf32>
    %get3A_19 = vector.shape_cast %get3A_18 : vector<1x1000x128xf32> to vector<1000x128xf32>
    %add3A_20 = arith.addf %get3A_14, %get3A_19 : vector<1000x128xf32>
    %get3A_21 = arith.constant 0 : index
    %get3A_22 = arith.constant 0 : index
    %get3A_23 = vector.load %arg2[%get3A_21, %get3A_22] : memref<1000x128xf32, #tpu.memory_space<vmem>>, vector<1000x128xf32>
    %add3A_24 = arith.addf %add3A_20, %get3A_23 : vector<1000x128xf32>
    %mul3A = vector.broadcast %transpose3A : vector<1000x1xf32> to vector<1000x128xf32>
    %mul3A_25 = arith.mulf %mul3A, %add3A_24 : vector<1000x128xf32>
    %get3A_26 = arith.constant 0 : index
    %get3A_27 = arith.constant 0 : index
    %get3A_28 = vector.load %arg4[%get3A_26, %get3A_27] : memref<1x128xf32, #tpu.memory_space<vmem>>, vector<1x128xf32>
    %add3A_29 = vector.broadcast %get3A_28 : vector<1x128xf32> to vector<1000x128xf32>
    %add3A_30 = arith.addf %mul3A_25, %add3A_29 : vector<1000x128xf32>
    %max3A = arith.constant 0.000000e+00 : f32
    %max3A_31 = vector.broadcast %max3A : f32 to vector<1000x128xf32>
    %max3A_32 = arith.maximumf %add3A_30, %max3A_31 : vector<1000x128xf32>
    %get3A_33 = arith.constant 0 : index
    %get3A_34 = arith.constant 0 : index
    %get3A_35 = arith.constant 0 : index
    %get3A_36 = vector.load %arg5[%get3A_33, %get3A_34, %get3A_35] : memref<1x1x1000xi32, #tpu.memory_space<vmem>>, vector<1x1x1000xi32>
    %get3A_37 = vector.shape_cast %get3A_36 : vector<1x1x1000xi32> to vector<1x1000xi32>
    %iota3A = tpu.iota {dimensions = array<i32: 0>} : vector<64x1000xi32>
    %eq3A_38 = vector.broadcast %get3A_37 : vector<1x1000xi32> to vector<64x1000xi32>
    %eq3A_39 = arith.cmpi eq, %iota3A, %eq3A_38 : vector<64x1000xi32>
    %convert_element_type3A_40 = arith.extui %eq3A_39 : vector<64x1000xi1> to vector<64x1000xi32>
    %convert_element_type3A_41 = arith.sitofp %convert_element_type3A_40 : vector<64x1000xi32> to vector<64x1000xf32>
    %get3A_42 = arith.constant 0 : index
    %get3A_43 = arith.constant 0 : index
    %get3A_44 = vector.load %arg11[%get3A_42, %get3A_43] : memref<64x128xf32, #tpu.memory_space<vmem>>, vector<64x128xf32>
    %dot_general3A = arith.constant dense<0.000000e+00> : vector<64x128xf32>
    %dot_general3A_45 = tpu.matmul %convert_element_type3A_41, %max3A_32, %dot_general3A {dimension_numbers = #tpu.dot_dimension_numbers<[1], [0], [0], [1], [0, 0, 1, 1], [], []>, transpose_lhs_hint = false} : vector<64x1000xf32>, vector<1000x128xf32>, vector<64x128xf32> -> vector<64x128xf32>
    %add3A_46 = arith.addf %get3A_44, %dot_general3A_45 : vector<64x128xf32>
    %swap3A = arith.constant 0 : index
    %swap3A_47 = arith.constant 0 : index
    %swap3A_48 = vector.load %arg11[%swap3A, %swap3A_47] : memref<64x128xf32, #tpu.memory_space<vmem>>, vector<64x128xf32>
    tpu.vector_store %arg11[%swap3A, %swap3A_47], %add3A_46 {strides = array<i32>} : memref<64x128xf32, #tpu.memory_space<vmem>>, vector<64x128xf32>,
    %get3A_49 = arith.constant 0 : index
    %get3A_50 = arith.constant 0 : index
    %get3A_51 = vector.load %arg12[%get3A_49, %get3A_50] : memref<64x128xf32, #tpu.memory_space<vmem>>, vector<64x128xf32>
    %reduce_sum3A = arith.constant dense<0.000000e+00> : vector<64xf32>
    %reduce_sum3A_52 = vector.multi_reduction <add>, %convert_element_type3A_41, %reduce_sum3A [1] : vector<64x1000xf32> to vector<64xf32>
    %broadcast_in_dim3A = vector.shape_cast %reduce_sum3A_52 : vector<64xf32> to vector<64x1xf32>
    %broadcast_in_dim3A_53 = vector.shape_cast %broadcast_in_dim3A : vector<64x1xf32> to vector<64x1xf32>
    %broadcast_in_dim3A_54 = vector.broadcast %broadcast_in_dim3A_53 : vector<64x1xf32> to vector<64x128xf32>
    %add3A_55 = arith.addf %get3A_51, %broadcast_in_dim3A_54 : vector<64x128xf32>
    %swap3A_56 = arith.constant 0 : index
    %swap3A_57 = arith.constant 0 : index
    %swap3A_58 = vector.load %arg12[%swap3A_56, %swap3A_57] : memref<64x128xf32, #tpu.memory_space<vmem>>, vector<64x128xf32>
    tpu.vector_store %arg12[%swap3A_56, %swap3A_57], %add3A_55 {strides = array<i32>} : memref<64x128xf32, #tpu.memory_space<vmem>>, vector<64x128xf32>,
    %eq3A_59 = arith.constant 9 : i32
    %eq3A_60 = arith.cmpi eq, %arg0, %eq3A_59 : i32
    %convert_element_type3A_61 = arith.extui %eq3A_60 : i1 to i32
    %cond3A_62 = arith.constant 0 : i32
    %cond3A_63 = arith.cmpi ne, %convert_element_type3A_61, %cond3A_62 : i32
    scf.if %cond3A_63 {
      %get3A_64 = arith.constant 0 : index
      %get3A_65 = arith.constant 0 : index
      %get3A_66 = vector.load %arg11[%get3A_64, %get3A_65] : memref<64x128xf32, #tpu.memory_space<vmem>>, vector<64x128xf32>
      %get3A_67 = arith.constant 0 : index
      %get3A_68 = arith.constant 0 : index
      %get3A_69 = vector.load %arg12[%get3A_67, %get3A_68] : memref<64x128xf32, #tpu.memory_space<vmem>>, vector<64x128xf32>
      %max3A_70 = arith.constant 1.000000e+00 : f32
      %max3A_71 = vector.broadcast %max3A_70 : f32 to vector<64x128xf32>
      %max3A_72 = arith.maximumf %get3A_69, %max3A_71 : vector<64x128xf32>
      %div3A = arith.divf %get3A_66, %max3A_72 : vector<64x128xf32>
      %get3A_73 = arith.constant 0 : index
      %get3A_74 = arith.constant 0 : index
      %get3A_75 = vector.load %arg6[%get3A_73, %get3A_74] : memref<128x64xf32, #tpu.memory_space<vmem>>, vector<128x64xf32>
      %dot_general3A_76 = arith.constant dense<0.000000e+00> : vector<64x64xf32>
      %dot_general3A_77 = tpu.matmul %div3A, %get3A_75, %dot_general3A_76 {dimension_numbers = #tpu.dot_dimension_numbers<[1], [0], [0], [1], [0, 0, 1, 1], [], []>, transpose_lhs_hint = false} : vector<64x128xf32>, vector<128x64xf32>, vector<64x64xf32> -> vector<64x64xf32>
      %get3A_78 = arith.constant 0 : index
      %get3A_79 = arith.constant 0 : index
      %get3A_80 = vector.load %arg7[%get3A_78, %get3A_79] : memref<1x64xf32, #tpu.memory_space<vmem>>, vector<1x64xf32>
      %add3A_81 = vector.broadcast %get3A_80 : vector<1x64xf32> to vector<64x64xf32>
      %add3A_82 = arith.addf %dot_general3A_77, %add3A_81 : vector<64x64xf32>
      %get3A_83 = arith.constant 0 : index
      %get3A_84 = arith.constant 0 : index
      %get3A_85 = vector.load %arg8[%get3A_83, %get3A_84] : memref<64x10xf32, #tpu.memory_space<vmem>>, vector<64x10xf32>
      %dot_general3A_86 = arith.constant dense<0.000000e+00> : vector<64x10xf32>
      %dot_general3A_87 = tpu.matmul %add3A_82, %get3A_85, %dot_general3A_86 {dimension_numbers = #tpu.dot_dimension_numbers<[1], [0], [0], [1], [0, 0, 1, 1], [], []>, transpose_lhs_hint = false} : vector<64x64xf32>, vector<64x10xf32>, vector<64x10xf32> -> vector<64x10xf32>
      %get3A_88 = arith.constant 0 : index
      %get3A_89 = arith.constant 0 : index
      %get3A_90 = vector.load %arg9[%get3A_88, %get3A_89] : memref<1x10xf32, #tpu.memory_space<vmem>>, vector<1x10xf32>
      %add3A_91 = vector.broadcast %get3A_90 : vector<1x10xf32> to vector<64x10xf32>
      %add3A_92 = arith.addf %dot_general3A_87, %add3A_91 : vector<64x10xf32>
      %swap3A_93 = arith.constant 0 : index
      %swap3A_94 = arith.constant 0 : index
      %swap3A_95 = vector.load %arg10[%swap3A_93, %swap3A_94] : memref<64x10xf32, #tpu.memory_space<vmem>>, vector<64x10xf32>
      tpu.vector_store %arg10[%swap3A_93, %swap3A_94], %add3A_92 {strides = array<i32>} : memref<64x10xf32, #tpu.memory_space<vmem>>, vector<64x10xf32>,
    } else {
    }
    return
  }
  func.func @transform_0(%arg0: i32) -> (i32, i32, i32) {
    %c0_i32 = arith.constant 0 : i32
    %c0_i32_0 = arith.constant 0 : i32
    %c0_i32_1 = arith.constant 0 : i32
    return %c0_i32, %arg0, %c0_i32_0 : i32, i32, i32
  }
  func.func @transform_1(%arg0: i32) -> (i32, i32) {
    %c0_i32 = arith.constant 0 : i32
    %c0_i32_0 = arith.constant 0 : i32
    return %arg0, %c0_i32 : i32, i32
  }
  func.func @transform_2(%arg0: i32) -> (i32, i32, i32) {
    %c0_i32 = arith.constant 0 : i32
    %c0_i32_0 = arith.constant 0 : i32
    %c0_i32_1 = arith.constant 0 : i32
    return %arg0, %c0_i32, %c0_i32_0 : i32, i32, i32
  }
  func.func @transform_3(%arg0: i32) -> (i32, i32) {
    %c0_i32 = arith.constant 0 : i32
    %c0_i32_0 = arith.constant 0 : i32
    %c0_i32_1 = arith.constant 0 : i32
    return %c0_i32, %c0_i32_0 : i32, i32
  }
  func.func @transform_4(%arg0: i32) -> (i32, i32, i32) {
    %c0_i32 = arith.constant 0 : i32
    %c0_i32_0 = arith.constant 0 : i32
    %c0_i32_1 = arith.constant 0 : i32
    return %arg0, %c0_i32, %c0_i32_0 : i32, i32, i32
  }
  func.func @transform_5(%arg0: i32) -> (i32, i32) {
    %c0_i32 = arith.constant 0 : i32
    %c0_i32_0 = arith.constant 0 : i32
    %c0_i32_1 = arith.constant 0 : i32
    return %c0_i32, %c0_i32_0 : i32, i32
  }
  func.func @transform_6(%arg0: i32) -> (i32, i32) {
    %c0_i32 = arith.constant 0 : i32
    %c0_i32_0 = arith.constant 0 : i32
    %c0_i32_1 = arith.constant 0 : i32
    return %c0_i32, %c0_i32_0 : i32, i32
  }
  func.func @transform_7(%arg0: i32) -> (i32, i32) {
    %c0_i32 = arith.constant 0 : i32
    %c0_i32_0 = arith.constant 0 : i32
    %c0_i32_1 = arith.constant 0 : i32
    return %c0_i32, %c0_i32_0 : i32, i32
  }
  func.func @transform_8(%arg0: i32) -> (i32, i32) {
    %c0_i32 = arith.constant 0 : i32
    %c0_i32_0 = arith.constant 0 : i32
    %c0_i32_1 = arith.constant 0 : i32
    return %c0_i32, %c0_i32_0 : i32, i32
  }
  func.func @transform_9(%arg0: i32) -> (i32, i32) {
    %c0_i32 = arith.constant 0 : i32
    %c0_i32_0 = arith.constant 0 : i32
    %c0_i32_1 = arith.constant 0 : i32
    return %c0_i32, %c0_i32_0 : i32, i32
  }
}

</mosaic_0001>

<sc_bundles>
// kernel: kernel.11.cloned.1.call-start
scs
__scs_entry_jumppad:
0x0: {  	(pc) =	sbr.rel $0x88, $3  }
0x1: {  	(tag) =	ssettag $0x0;
	lr =	simm.s32 $0x1  }
0x2: {  	[smem:$0x3F96] =	sst lr;
	_ =	strace $0xD0000000  }
0x3: {  	_ = 	snop  }
0x4: {  	_ = 	snop  }
0x5: {  	_ = 	snop  }
0x6: {  	_ = 	snop  }
0x7: {  	_ = 	snop  }
__scs_overlays_trampoline_lowered:
0x8: {  	[smem:$0x3FA5] =	sst s0  }
0x9: {  	[smem:$0x3FA6] =	sst s1  }
0xa: {  	[smem:$0x3FA7] =	sst s2  }
0xb: {  	[smem:$0x3FA8] =	sst s3  }
0xc: {  	[smem:$0x3FA9] =	sst s4  }
0xd: {  	[smem:$0x3FAA] =	sst s5  }
0xe: {  	[smem:$0x3FAB] =	sst s6  }
0xf: {  	[smem:$0x3FAC] =	sst s7  }
0x10: {  	[smem:$0x3FAD] =	sst s8  }
0x11: {  	[smem:$0x3FAE] =	sst s9;
	s0 =	simm.s32 @!p0 $0x0  }
0x12: {  	s1 =	sld [smem:$0x3F94];
	s0 =	simm.s32 @p0 $0x1  }
0x13: {  	[smem:$0x3FAF] =	sst s0;
	s0 =	simm.s32 @!p1 $0x0  }
0x14: {  	s2 =	sld [smem:$0x3F93];
	s0 =	simm.s32 @p1 $0x1  }
0x15: {  	[smem:$0x3FB0] =	sst s0;
	s0 =	simm.s32 @!p2 $0x0  }
0x16: {  	s3 =	sld [smem:$0x3FDB];
	s0 =	simm.s32 @p2 $0x1  }
0x17: {  	s4 =	simm.s32 $0x1BF5;
	[smem:$0x3FB2] =	sst s0  }
0x18: {  	s0 =	sld [smem:$0x3F95];
	_ =	swait.ge [sflag:s4], $0x0  }
0x19: {  	s7 =	sld [smem:$0x3F96]  }
0x1a: {  	s8 =	sadd.s32 $0xFFFFE003, lr  }
0x1b: {  	s9 =	sadd.s32 $0xFFFFFEF7, lr;
	s5 =	simm.s32 $0xFFFFFFFF;
	p2 =	slt.u32 s8, $0xFFFFF086  }
0x1c: {  	p1 =	slt.u32 s9, $0xF7A;
	s5 =	simm.s32 @!p2 $0x0  }
0x1d: {  	s5 =	simm.s32 @p1 $0x1;
	p0 =	seq.s32 s7, s2  }
0x1e: {  	s7 =	smul.u32 @!p0 $0xF7A, s2;
	p2 =	seq.s32 @!p0 s5, $0x0  }
0x1f: {  	s9 =	smul.u32 $0xF7A, s1;
	s8 =	simm.s32 @!p0 $0x1BF5;
	p2 =	por !p2, p0  }
0x20: {  	[sflag:s8] =	ssyncset.s32 @!p0 $0xFFFFF086;
	s6 =	sadd.s32 @!p0 s3, s7;
	s7 =	simm.s32 @!p0 $0x108  }
0x21: {  	s3 =	sadd.s32 s3, s9;
	s6 =	sadd.s32 @!p0 $0x88, s6;
	s7 =	simm.s32 @p2 $0x1082  }
0x22: {  	[simem:s7], [sflag:s8] =	dma.local @!p0 [hbm:s6], $0xF7A  }
0x23: {  	s9 =	sor.u32 $0xD0000000, s2;
	s6 =	simm.s32 $0x108;
	_ =	swait.ge @!p0 [sflag:s8], $0x0  }
0x24: {  	s3 =	sadd.s32 $0x88, s3;
	s6 =	simm.s32 @!p1 $0x1082;
	[sflag:s4] =	ssyncset.s32 $0xFFFFF086  }
0x25: {  	[simem:s6], [sflag:s4] =	dma.local [hbm:s3], $0xF7A  }
0x26: {  	[smem:$0x3F96] =	sst s1;
	(tag) =	ssettag s2;
	_ =	strace s9  }
0x27: {  	s1 =	sld [smem:$0x3FA6]  }
0x28: {  	s2 =	sld [smem:$0x3FA7]  }
0x29: {  	s4 =	sld [smem:$0x3FA9]  }
0x2a: {  	p0 =	seq.s32 s5, $0x0;
	s5 =	sld [smem:$0x3FAA]  }
0x2b: {  	s6 =	sld [smem:$0x3FAB]  }
0x2c: {  	s7 =	sld [smem:$0x3FAC]  }
0x2d: {  	s3 =	simm.s32 $0x108;
	s8 =	sld [smem:$0x3FAD]  }
0x2e: {  	s3 =	simm.s32 @!p0 $0x1082;
	s9 =	sld [smem:$0x3FAE]  }
0x2f: {  	lr =	sadd.s32 s0, s3;
	s0 =	sld [smem:$0x3FA5]  }
0x30: {  	s3 =	sld [smem:$0x3FA8]  }
0x31: {  	[smem:$0x3FB1] =	sst s10  }
0x32: {  	s10 =	sld [smem:$0x3FAF];
	_ =	sdelay $0x3  }
0x33: {  	p0 =	seq.s32 s10, $0x1;
	s10 =	sld [smem:$0x3FB1];
	_ =	sdelay $0x3  }
0x34: {  	[smem:$0x3FB1] =	sst s10  }
0x35: {  	s10 =	sld [smem:$0x3FB0];
	_ =	sdelay $0x3  }
0x36: {  	p1 =	seq.s32 s10, $0x1;
	s10 =	sld [smem:$0x3FB1];
	_ =	sdelay $0x3  }
0x37: {  	[smem:$0x3FB1] =	sst s10  }
0x38: {  	s10 =	sld [smem:$0x3FB2]  }
0x39: {  	_ = 	snop;
	(pc) =	sbr.ind lr, $3  }
0x3a: {  	_ = 	snop  }
0x3b: {  	_ = 	snop  }
0x3c: {  	p2 =	seq.s32 s10, $0x1;
	s10 =	sld [smem:$0x3FB1]  }
0x3d: {  	_ =	shalt  }
0x3e: {  	_ =	shalt  }
0x3f: {  	_ =	shalt  }
0x40: {  	_ =	shalt  }
0x41: {  	_ =	shalt  }
0x42: {  	_ =	shalt  }
0x43: {  	_ =	shalt  }
0x44: {  	_ =	shalt  }
0x45: {  	_ =	shalt  }
0x46: {  	_ =	shalt  }
0x47: {  	_ =	shalt  }
0x48: {  	_ =	shalt  }
0x49: {  	_ =	shalt  }
0x4a: {  	_ =	shalt  }
0x4b: {  	_ =	shalt  }
0x4c: {  	_ =	shalt  }
0x4d: {  	_ =	shalt  }
0x4e: {  	_ =	shalt  }
0x4f: {  	_ =	shalt  }
0x50: {  	_ =	shalt  }
0x51: {  	_ =	shalt  }
0x52: {  	_ =	shalt  }
0x53: {  	_ =	shalt  }
0x54: {  	_ =	shalt  }
0x55: {  	_ =	shalt  }
0x56: {  	_ =	shalt  }
0x57: {  	_ =	shalt  }
0x58: {  	_ =	shalt  }
0x59: {  	_ =	shalt  }
0x5a: {  	_ =	shalt  }
0x5b: {  	_ =	shalt  }
0x5c: {  	_ =	shalt  }
0x5d: {  	_ =	shalt  }
0x5e: {  	_ =	shalt  }
0x5f: {  	_ =	shalt  }
0x60: {  	_ =	shalt  }
0x61: {  	_ =	shalt  }
0x62: {  	_ =	shalt  }
0x63: {  	_ =	shalt  }
0x64: {  	_ =	shalt  }
0x65: {  	_ =	shalt  }
0x66: {  	_ =	shalt  }
0x67: {  	_ =	shalt  }
0x68: {  	_ =	shalt  }
0x69: {  	_ =	shalt  }
0x6a: {  	_ =	shalt  }
0x6b: {  	_ =	shalt  }
0x6c: {  	_ =	shalt  }
0x6d: {  	_ =	shalt  }
0x6e: {  	_ =	shalt  }
0x6f: {  	_ =	shalt  }
0x70: {  	_ =	shalt  }
0x71: {  	_ =	shalt  }
0x72: {  	_ =	shalt  }
0x73: {  	_ =	shalt  }
0x74: {  	_ =	shalt  }
0x75: {  	_ =	shalt  }
0x76: {  	_ =	shalt  }
0x77: {  	_ =	shalt  }
0x78: {  	_ =	shalt  }
0x79: {  	_ =	shalt  }
0x7a: {  	_ =	shalt  }
0x7b: {  	_ =	shalt  }
0x7c: {  	_ =	shalt  }
0x7d: {  	_ =	shalt  }
0x7e: {  	_ =	shalt  }
0x7f: {  	_ =	shalt  }
0x80: {  	_ =	shalt  }
0x81: {  	_ =	shalt  }
0x82: {  	_ =	shalt  }
0x83: {  	_ =	shalt  }
0x84: {  	_ =	shalt  }
0x85: {  	_ =	shalt  }
0x86: {  	_ =	shalt  }
0x87: {  	_ =	shalt  }
.Lfunc_end0:
.L_simem_size_0:
called_computation.1_lowered:
.L_overlay_start_0:
0x88: {  	s2 =	sld [smem:$0x3FD9]  }
0x89: {  	s3 =	sld [smem:$0x3FFE];
	_ =	sdelay $0x1  }
0x8a: {  	s1 =	srdreg.scid  }
0x8b: {  	s0 =	sand.u32 $0x1, s1  }
0x8c: {  	s16 =	sshll.u32 s0, $0xA;
	s2 =	sadd.s32 s3, s2  }
0x8d: {  	s2 =	sadd.s32 s2, s16  }
0x8e: {  	[smem:$0x3FBD] =	sst s2  }
0x8f: {  	_ = 	snop  }
0x90: {  	(tm) =	ssettm $0x1  }
0x91: {  	s17 =	sld [smem:$0x3FFB];
	_ =	sdelay $0x3  }
0x92: {  	_ =	strace s17  }
0x93: {  	s2 =	sld [smem:$0x3FFC];
	_ =	sdelay $0x3  }
0x94: {  	_ =	strace s2  }
0x95: {  	s2 =	sld [smem:$0x3FFD];
	_ =	sdelay $0x3  }
0x96: {  	_ =	strace s2  }
0x97: {  	_ =	strace $0x8FFFFFFF  }
0x98: {  	s18 =	sld [smem:$0x3FDB];
	_ =	sdelay $0x1  }
0x99: {  	s19 =	simm.s32 $_scs_section_size  }
0x9a: {  	s4 =	simm.s32 $_size__tile_overlayer_lowered;
	s5 =	simm.s32 $_tile_overlayer_lowered  }
0x9b: {  	s22 =	simm.s32 $0x1BFF;
	s21 =	sshll.u32 s5, $0x1;
	s2 =	sadd.s32 s19, s18  }
0x9c: {  	s6 =	simm.s32 $0x0;
	s20 =	sshll.u32 s4, $0x1;
	s4 =	sadd.s32 s21, s2  }
0x9d: {  	[timem:s6], [sflag:s22] =	dma.local [hbm:s4], s20  }
0x9e: {  	_ =	swait.ge [sflag:s22], s20  }
0x9f: {  	s3 =	ssub.s32 $0x0, s20;
	[sflag:s22] =	ssyncset.done $0x0  }
0xa0: {  	[sflag:s22] =	ssyncadd.s32 s3;
	_ =	sdelay $0x1  }
0xa1: {  	s23 =	simm.s32 $0x1B8B  }
0xa2: {  	_ =	swait.ge [sflag:s23], $0x1  }
0xa3: {  	[sflag:s23] =	ssyncset.done $0x0  }
0xa4: {  	s25 =	simm.s32 $0x1B8E;
	s24 =	sld [smem:$0x3FFE];
	[sflag:s23] =	ssyncadd.s32 $0xFFFFFFFF  }
0xa5: {  	s26 =	simm.s32 $execute0_lowered;
	[smem:$0x3FD2] =	sst s25  }
0xa6: {  	s4 =	sshll.u32 s26, $0x1;
	_ =	strace $0x80000049;
	[dreg:$0x1] =	wrdreg $0xFFFFFFFF  }
0xa7: {  	s28 =	simm.s32 $_size_execute0_lowered;
	s2 =	sadd.s32 s2, s4;
	[dreg:$0x0] =	wrdreg $0x0  }
0xa8: {  	s4 =	sshll.u32 s28, $0x1;
	[dreg:$0x2] =	wrdreg s2  }
0xa9: {  	[dreg:$0x3] =	wrdreg s4  }
0xaa: {  	[dreg:$0x4] =	wrdreg $0xC0  }
0xab: {  	_ =	task [dreg:s6], $0x5FFFF  }
0xac: {  	[dreg:$0x1] =	wrdreg $0xFFFFFFFF  }
0xad: {  	[dreg:$0x0] =	wrdreg $0x60  }
0xae: {  	[dreg:$0x2] =	wrdreg s24  }
0xaf: {  	[dreg:$0x3] =	wrdreg $0xA8000  }
0xb0: {  	[dreg:$0x4] =	wrdreg $0x9  }
0xb1: {  	_ =	task.clear_ibuf [dreg:s6], $0x5FFFF;
	_ =	strace $0x90000049  }
0xb2: {  	s29 =	simm.s32 $0x9;
	_ =	strace $0x8000004B  }
0xb3: {  	_ =	swait.ge [sflag:s29], $0x1  }
0xb4: {  	[sflag:s29] =	ssyncadd.s32 $0xFFFFFFFF  }
0xb5: {  	_ =	strace $0x9000004B  }
0xb6: {  	_ =	sfence  }
0xb7: {  	s30 =	sld [smem:$0x0];
	_ =	sdelay $0x2  }
0xb8: {  	s31 =	sshll.u32 s1, $0xD;
	s1 =	sshrl.u32 s1, $0x2  }
0xb9: {  	s3 =	sand.u32 $0x4000, s31;
	s1 =	sadd.s32 s1, s30  }
0xba: {  	s0 =	sor.u32 s3, s0;
	s1 =	sshll.u32 s1, $0x11  }
0xbb: {  	s0 =	sor.u32 s1, s0  }
0xbc: {  	s0 =	sadd.s32 $0x8F2B, s0  }
0xbd: {  	[sflag:s0] =	ssyncadd.remote.s32 $0x1  }
0xbe: {  	_ =	sfence.sel $0xFFFF  }
0xbf: {  	[dreg:$0x0] =	wrdreg $0xFFFFFFFF;
	(pc) =	sbr.abs _section_cstart, $3  }
0xc0: {  	[dreg:$0x1] =	wrdreg $0xFFFFFFFF  }
0xc1: {  	_ =	task.clear_ibuf [dreg:s6], $0x2FFFF;
	_ =	strace $0x9FFFFFFF  }
0xc2: {  	(tm) =	ssettm $0x7FFFFFFF  }
0xc3: {  	_ =	shalt  }
tec
execute0_lowered:
.L_overlay_start_1:
0x0: {  	(tag) =	ssettag $0x1  }
0x1: {  	s6 =	rddreg [dreg:$0x0]  }
0x2: {  	s1 =	rddreg [dreg:$0x1]  }
0x3: {  	s2 =	srdreg.scid;
	s0 =	rddreg [dreg:$0x2];
	s3 =	simm.s32 $0x0  }
0x4: {  	s16 =	simm.s32 $0x80;
	s17 =	simm.s32 $0x2800;
	s18 =	simm.s32 $0x1  }
0x5: {  	s19 =	simm.s32 $0x6800;
	s20 =	simm.s32 $0x1380;
	s21 =	simm.s32 $0x2700  }
0x6: {  	s22 =	simm.s32 $0x2780;
	s23 =	simm.s32 $0x0;
	s7 =	sand.u32 $0x1, s2  }
0x7: {  	s2 =	stileid.u32;
	[smem:$0x7FF] =	sst s3;
	s4 =	sadd.s32 $0x17200, s6  }
0x8: {  	s11 =	sadd.s32 $0xD200, s6;
	s12 =	sadd.s32 $0x3200, s6;
	s5 =	smul.u32 $0x13C000, s7  }
0x9: {  	s8 =	smul.u32 $0x13C00, s2;
	_ =	strace $0x8000004A;
	s9 =	ssub.s32 $0x2, s7  }
0xa: {  	s7 =	sshll.u32 s7, $0x4;
	s10 =	smul.u32 $0x4F000, s2;
	s13 =	sshll.u32 s2, $0x6  }
0xb: {  	s30 =	sshrl.u32 s9, $0x1;
	s7 =	sor.u32 s2, s7;
	s8 =	sadd.s32 s8, s5  }
0xc: {  	s5 =	sadd.s32 $0x3E400, s6;
	s10 =	sshrl.u32 s10, $0x2;
	s14 =	smul.u32 $0x500, s7  }
0xd: {  	s9 =	ssub.s32 s9, s30;
	s8 =	sshrl.u32 s8, $0x3;
	s15 =	sadd.s32 s10, s1  }
0xe: {  	s8 =	sadd.s32 s8, s6;
	s6 =	sor.u32 $0x1C02, s13;
	s31 =	sadd.s32 $0x280, s14  }
0xf: {  	s10 =	sadd.s32 s12, s14;
	s13 =	sshrl.u32 s15, $0x3;
	s15 =	simm.s32 $0x1400  }
0x10: {  	s7 =	sadd.s32 $0x40C00, s8;
	s8 =	smax.u32 s9, $0x1;
	s9 =	sadd.s32 s11, s14  }
0x11: {  	s11 =	sadd.s32 s11, s31;
	s12 =	sadd.s32 s12, s31;
	s14 =	simm.s32 $0x2  }
.LBB2_1:
0x12: {  	[spmem:s13], [sflag:s6] =	dma.local [hbm:s5], $0x2780  }
0x13: {  	_ =	swait.ge [sflag:s14], $0x2780  }
0x14: {  	[sflag:s14] =	ssyncset.done $0x0  }
0x15: {  	[sflag:s14] =	ssyncadd.s32 $0xFFFFD880  }
0x16: {  	[bflag:$0x0] =	sbarrier.arrive $0xFFFF  }
0x17: {  	[tilespmem:s3], [sflag:$0x2] =	stream.linear.gather [hbm4b:s9+s3], $0x1400, $0x38;
	[tilespmem:$0x1E400] =	vst v63  }
0x18: {  	_ =	swait.ge [sflag:s14], $0x1400  }
0x19: {  	[sflag:s14] =	ssyncset.done $0x0  }
0x1a: {  	[sflag:s14] =	ssyncadd.s32 $0xFFFFEC00  }
0x1b: {  	[tilespmem:s15], [sflag:$0x2] =	stream.linear.gather [hbm4b:s10+s3], $0x1400, $0x38;
	[tilespmem:$0x1E400] =	vst v63  }
0x1c: {  	_ =	swait.ge [sflag:s14], $0x1400  }
0x1d: {  	[sflag:s14] =	ssyncset.done $0x0  }
0x1e: {  	[sflag:s14] =	ssyncadd.s32 $0xFFFFEC00  }
0x1f: {  	[tilespmem:s17], [sflag:$0x1] =	stream.indirect.gather [hbm4b:s4+s16], $0x80, s3, s16, $0xb8;
	[tilespmem:$0x1E400] =	vst v63  }
0x20: {  	_ =	swait.ge [sflag:s18], $0x4000  }
0x21: {  	[sflag:s18] =	ssyncset.done $0x0  }
0x22: {  	s24 =	simm.s32 $0x80;
	[sflag:s18] =	ssyncadd.s32 $0xFFFFC000  }
0x23: {  	[tilespmem:s19], [sflag:$0x1] =	stream.indirect.gather [hbm4b:s4+s16], $0x80, s24, s16, $0xb8;
	[tilespmem:$0x1E400] =	vst v63  }
0x24: {  	s29 =	simm.s32 $0x1400  }
0x25: {  	[spmem:s1] =	stream.indirect.scatter.add.f32 [tilespmem:s17], [sflag:$0x2], $0x80, s29, s16, $0xb8;
	[tilespmem:$0x1E400] =	vst v63  }
0x26: {  	_ =	swait.ge [sflag:s14], $0x4000  }
0x27: {  	[sflag:s14] =	ssyncset.done $0x0  }
0x28: {  	[sflag:s14] =	ssyncadd.s32 $0xFFFFC000  }
0x29: {  	_ =	swait.ge [sflag:s18], $0x4000  }
0x2a: {  	[sflag:s18] =	ssyncset.done $0x0  }
0x2b: {  	s30 =	simm.s32 $0x100;
	[sflag:s18] =	ssyncadd.s32 $0xFFFFC000  }
0x2c: {  	[tilespmem:s17], [sflag:$0x1] =	stream.indirect.gather [hbm4b:s4+s16], $0x80, s30, s16, $0xb8;
	[tilespmem:$0x1E400] =	vst v63  }
0x2d: {  	s31 =	simm.s32 $0x1480  }
0x2e: {  	[spmem:s1] =	stream.indirect.scatter.add.f32 [tilespmem:s19], [sflag:$0x2], $0x80, s31, s16, $0xb8;
	[tilespmem:$0x1E400] =	vst v63  }
0x2f: {  	_ =	swait.ge [sflag:s14], $0x4000  }
0x30: {  	s24 =	simm.s32 $0x400;
	[sflag:s14] =	ssyncset.done $0x0  }
.LBB2_2:
0x31: {  	p0 =	sne.s32 s24, $0x4800  }
0x32: {  	[sflag:s14] =	ssyncadd.s32 $0xFFFFC000;
	s25 =	smov.u32 s24;
	s24 =	sadd.s32 $0x400, s24  }
0x33: {  	_ = 	snop  }
0x34: {  	_ =	swait.ge [sflag:s18], $0x4000  }
0x35: {  	s25 =	sshra.s32 s25, $0x2;
	[sflag:s18] =	ssyncset.done $0x0  }
0x36: {  	s26 =	sadd.s32 $0x80, s25;
	[sflag:s18] =	ssyncadd.s32 $0xFFFFC000  }
0x37: {  	[tilespmem:s19], [sflag:$0x1] =	stream.indirect.gather [hbm4b:s4+s16], $0x80, s26, s16, $0xb8;
	[tilespmem:$0x1E400] =	vst v63  }
0x38: {  	s26 =	sadd.s32 $0x1400, s25  }
0x39: {  	[spmem:s1] =	stream.indirect.scatter.add.f32 [tilespmem:s17], [sflag:$0x2], $0x80, s26, s16, $0xb8;
	[tilespmem:$0x1E400] =	vst v63  }
0x3a: {  	_ =	swait.ge [sflag:s14], $0x4000  }
0x3b: {  	[sflag:s14] =	ssyncset.done $0x0  }
0x3c: {  	[sflag:s14] =	ssyncadd.s32 $0xFFFFC000  }
0x3d: {  	_ =	swait.ge [sflag:s18], $0x4000  }
0x3e: {  	[sflag:s18] =	ssyncset.done $0x0  }
0x3f: {  	s26 =	sadd.s32 $0x100, s25;
	[sflag:s18] =	ssyncadd.s32 $0xFFFFC000  }
0x40: {  	[tilespmem:s17], [sflag:$0x1] =	stream.indirect.gather [hbm4b:s4+s16], $0x80, s26, s16, $0xb8;
	[tilespmem:$0x1E400] =	vst v63  }
.Ltmp0:
0x41: {  	_ = 	snop;
	(pc) =	sbr.rel @p0 .LBB2_2-.Ltmp0, $4  }
0x42: {  	s25 =	sadd.s32 $0x1480, s25  }
0x43: {  	[spmem:s1] =	stream.indirect.scatter.add.f32 [tilespmem:s19], [sflag:$0x2], $0x80, s25, s16, $0xb8;
	[tilespmem:$0x1E400] =	vst v63  }
0x44: {  	_ =	swait.ge [sflag:s14], $0x4000  }
0x45: {  	[sflag:s14] =	ssyncset.done $0x0  }
0x46: {  	[sflag:s14] =	ssyncadd.s32 $0xFFFFC000  }
0x47: {  	_ =	swait.ge [sflag:s18], $0x4000  }
0x48: {  	[sflag:s18] =	ssyncset.done $0x0  }
0x49: {  	[sflag:s18] =	ssyncadd.s32 $0xFFFFC000  }
0x4a: {  	[tilespmem:s19], [sflag:$0x1] =	stream.indirect.gather [hbm4b:s4+s16], $0x80, s20, s16, $0xb8;
	[tilespmem:$0x1E400] =	vst v63  }
0x4b: {  	_ = 	snop  }
0x4c: {  	[spmem:s1] =	stream.indirect.scatter.add.f32 [tilespmem:s17], [sflag:$0x2], $0x80, s21, s16, $0xb8;
	[tilespmem:$0x1E400] =	vst v63  }
0x4d: {  	_ =	swait.ge [sflag:s14], $0x4000  }
0x4e: {  	[sflag:s14] =	ssyncset.done $0x0  }
0x4f: {  	[sflag:s14] =	ssyncadd.s32 $0xFFFFC000  }
0x50: {  	_ =	swait.ge [sflag:s18], $0x4000  }
0x51: {  	[sflag:s18] =	ssyncset.done $0x0  }
0x52: {  	[sflag:s18] =	ssyncadd.s32 $0xFFFFC000  }
0x53: {  	[spmem:s1] =	stream.indirect.scatter.add.f32 [tilespmem:s19], [sflag:$0x2], $0x80, s22, s16, $0xb8;
	[tilespmem:$0x1E400] =	vst v63  }
0x54: {  	_ =	swait.ge [sflag:s14], $0x4000  }
0x55: {  	[sflag:s14] =	ssyncset.done $0x0  }
0x56: {  	s24 =	simm.s32 $0x0;
	[sflag:s14] =	ssyncadd.s32 $0xFFFFC000  }
0x57: {  	[tilespmem:s24], [sflag:$0x2] =	stream.linear.gather [hbm4b:s11+s24], $0x1400, $0x38;
	[tilespmem:$0x1E400] =	vst v63  }
0x58: {  	_ =	swait.ge [sflag:s14], $0x1400  }
0x59: {  	[sflag:s14] =	ssyncset.done $0x0  }
0x5a: {  	[sflag:s14] =	ssyncadd.s32 $0xFFFFEC00  }
0x5b: {  	[tilespmem:s15], [sflag:$0x2] =	stream.linear.gather [hbm4b:s12+s24], $0x1400, $0x38;
	[tilespmem:$0x1E400] =	vst v63  }
0x5c: {  	_ =	swait.ge [sflag:s14], $0x1400  }
0x5d: {  	[sflag:s14] =	ssyncset.done $0x0  }
0x5e: {  	[sflag:s14] =	ssyncadd.s32 $0xFFFFEC00  }
0x5f: {  	[tilespmem:s17], [sflag:$0x1] =	stream.indirect.gather [hbm4b:s4+s16], $0x80, s24, s16, $0xb8;
	[tilespmem:$0x1E400] =	vst v63  }
0x60: {  	_ =	swait.ge [sflag:s18], $0x4000  }
0x61: {  	[sflag:s18] =	ssyncset.done $0x0  }
0x62: {  	s28 =	simm.s32 $0x80;
	[sflag:s18] =	ssyncadd.s32 $0xFFFFC000  }
0x63: {  	[tilespmem:s19], [sflag:$0x1] =	stream.indirect.gather [hbm4b:s4+s16], $0x80, s28, s16, $0xb8;
	[tilespmem:$0x1E400] =	vst v63  }
0x64: {  	s29 =	simm.s32 $0x1400  }
0x65: {  	[spmem:s1] =	stream.indirect.scatter.add.f32 [tilespmem:s17], [sflag:$0x2], $0x80, s29, s16, $0xb8;
	[tilespmem:$0x1E400] =	vst v63  }
0x66: {  	_ =	swait.ge [sflag:s14], $0x4000  }
0x67: {  	[sflag:s14] =	ssyncset.done $0x0  }
0x68: {  	[sflag:s14] =	ssyncadd.s32 $0xFFFFC000  }
0x69: {  	_ =	swait.ge [sflag:s18], $0x4000  }
0x6a: {  	[sflag:s18] =	ssyncset.done $0x0  }
0x6b: {  	s30 =	simm.s32 $0x100;
	[sflag:s18] =	ssyncadd.s32 $0xFFFFC000  }
0x6c: {  	[tilespmem:s17], [sflag:$0x1] =	stream.indirect.gather [hbm4b:s4+s16], $0x80, s30, s16, $0xb8;
	[tilespmem:$0x1E400] =	vst v63  }
0x6d: {  	s31 =	simm.s32 $0x1480  }
0x6e: {  	[spmem:s1] =	stream.indirect.scatter.add.f32 [tilespmem:s19], [sflag:$0x2], $0x80, s31, s16, $0xb8;
	[tilespmem:$0x1E400] =	vst v63  }
0x6f: {  	_ =	swait.ge [sflag:s14], $0x4000  }
0x70: {  	s24 =	simm.s32 $0x400;
	[sflag:s14] =	ssyncset.done $0x0  }
.LBB2_4:
0x71: {  	p0 =	sne.s32 s24, $0x4800  }
0x72: {  	[sflag:s14] =	ssyncadd.s32 $0xFFFFC000;
	s25 =	smov.u32 s24;
	s24 =	sadd.s32 $0x400, s24  }
0x73: {  	_ = 	snop  }
0x74: {  	_ =	swait.ge [sflag:s18], $0x4000  }
0x75: {  	s25 =	sshra.s32 s25, $0x2;
	[sflag:s18] =	ssyncset.done $0x0  }
0x76: {  	s26 =	sadd.s32 $0x80, s25;
	[sflag:s18] =	ssyncadd.s32 $0xFFFFC000  }
0x77: {  	[tilespmem:s19], [sflag:$0x1] =	stream.indirect.gather [hbm4b:s4+s16], $0x80, s26, s16, $0xb8;
	[tilespmem:$0x1E400] =	vst v63  }
0x78: {  	s26 =	sadd.s32 $0x1400, s25  }
0x79: {  	[spmem:s1] =	stream.indirect.scatter.add.f32 [tilespmem:s17], [sflag:$0x2], $0x80, s26, s16, $0xb8;
	[tilespmem:$0x1E400] =	vst v63  }
0x7a: {  	_ =	swait.ge [sflag:s14], $0x4000  }
0x7b: {  	[sflag:s14] =	ssyncset.done $0x0  }
0x7c: {  	[sflag:s14] =	ssyncadd.s32 $0xFFFFC000  }
0x7d: {  	_ =	swait.ge [sflag:s18], $0x4000  }
0x7e: {  	[sflag:s18] =	ssyncset.done $0x0  }
0x7f: {  	s26 =	sadd.s32 $0x100, s25;
	[sflag:s18] =	ssyncadd.s32 $0xFFFFC000  }
0x80: {  	[tilespmem:s17], [sflag:$0x1] =	stream.indirect.gather [hbm4b:s4+s16], $0x80, s26, s16, $0xb8;
	[tilespmem:$0x1E400] =	vst v63  }
.Ltmp1:
0x81: {  	_ = 	snop;
	(pc) =	sbr.rel @p0 .LBB2_4-.Ltmp1, $4  }
0x82: {  	s25 =	sadd.s32 $0x1480, s25  }
0x83: {  	[spmem:s1] =	stream.indirect.scatter.add.f32 [tilespmem:s19], [sflag:$0x2], $0x80, s25, s16, $0xb8;
	[tilespmem:$0x1E400] =	vst v63  }
0x84: {  	_ =	swait.ge [sflag:s14], $0x4000  }
0x85: {  	[sflag:s14] =	ssyncset.done $0x0  }
0x86: {  	[sflag:s14] =	ssyncadd.s32 $0xFFFFC000  }
0x87: {  	_ =	swait.ge [sflag:s18], $0x4000  }
0x88: {  	[sflag:s18] =	ssyncset.done $0x0  }
0x89: {  	[sflag:s18] =	ssyncadd.s32 $0xFFFFC000  }
0x8a: {  	[tilespmem:s19], [sflag:$0x1] =	stream.indirect.gather [hbm4b:s4+s16], $0x80, s20, s16, $0xb8;
	[tilespmem:$0x1E400] =	vst v63  }
0x8b: {  	_ = 	snop  }
0x8c: {  	[spmem:s1] =	stream.indirect.scatter.add.f32 [tilespmem:s17], [sflag:$0x2], $0x80, s21, s16, $0xb8;
	[tilespmem:$0x1E400] =	vst v63  }
0x8d: {  	_ =	swait.ge [sflag:s14], $0x4000  }
0x8e: {  	[sflag:s14] =	ssyncset.done $0x0  }
0x8f: {  	[sflag:s14] =	ssyncadd.s32 $0xFFFFC000  }
0x90: {  	_ =	swait.ge [sflag:s18], $0x4000  }
0x91: {  	[sflag:s18] =	ssyncset.done $0x0  }
0x92: {  	[sflag:s18] =	ssyncadd.s32 $0xFFFFC000  }
0x93: {  	[spmem:s1] =	stream.indirect.scatter.add.f32 [tilespmem:s19], [sflag:$0x2], $0x80, s22, s16, $0xb8;
	[tilespmem:$0x1E400] =	vst v63  }
0x94: {  	_ =	swait.ge [sflag:s14], $0x4000  }
0x95: {  	s23 =	sadd.s32 $0x1, s23;
	[sflag:s14] =	ssyncset.done $0x0  }
0x96: {  	p0 =	sne.s32 s23, s8;
	[sflag:s14] =	ssyncadd.s32 $0xFFFFC000  }
.Ltmp2:
0x97: {  	[bflag:$0x0] =	sbarrier.arrive $0xFFFF;
	(pc) =	sbr.rel @p0 .LBB2_1-.Ltmp2, $4  }
0x98: {  	[hbm:s7], [sflag:s6] =	dma.local [spmem:s13], $0x2780  }
0x99: {  	_ =	swait.ge [sflag:s14], $0x2780  }
0x9a: {  	[sflag:s14] =	ssyncset.done $0x0  }
0x9b: {  	[sflag:s14] =	ssyncadd.s32 $0xFFFFD880  }
0x9c: {  	_ =	sfence.sel $0x180000  }
0x9d: {  	[bflag:$0x0] =	sbarrier.arrive $0xFFFF  }
0x9e: {  	p0 =	sne.s32 s2, $0x0;
	_ =	strace $0x9000004A  }
0x9f: {  	s0 =	sadd.s32 @!p0 $0x100000, s0;
	[bflag:$0x2] =	sbarrier.arrive $0xFFFF  }
0xa0: {  	[sflag:s0] =	ssyncadd.tile.s32 @!p0 $0x1;
	_ =	shalt  }
.Lfunc_end2:
_tile_overlayer_lowered:
.L_overlay_start_2:
0xa1: {  	(tag) =	ssettag $0x2  }
0xa2: {  	s0 =	rddreg [dreg:$0x0];
	s2 =	stileid.u32  }
0xa3: {  	s1 =	rddreg [dreg:$0x1];
	p0 =	sne.s32 s2, $0x0  }
0xa4: {  	s3 =	rddreg [dreg:$0x2];
	[bflag:$0x3] =	sbarrier.arrive $0xFFFF;
	s2 =	simm.s32 @!p0 $0x1C02  }
0xa5: {  	[timem:s3], [sflag:s2] =	dma.local @!p0 [hbm:s0], s1  }
0xa6: {  	s0 =	simm.s32 @!p0 $0x2  }
0xa7: {  	_ =	swait.ge @!p0 [sflag:s0], s1  }
0xa8: {  	s1 =	ssub.s32 @!p0 $0x0, s1;
	[sflag:s0] =	ssyncset.done @!p0 $0x0  }
0xa9: {  	[sflag:s0] =	ssyncadd.s32 @!p0 s1  }
0xaa: {  	[bflag:$0x3] =	sbarrier.arrive $0xFFFF  }
0xab: {  	_ =	shalt  }

// kernel: kernel.14.cloned.1.call-start
scs
__scs_entry_jumppad:
0x0: {  	(pc) =	sbr.rel $0x88, $3  }
0x1: {  	(tag) =	ssettag $0x0;
	lr =	simm.s32 $0x1  }
0x2: {  	[smem:$0x3F96] =	sst lr;
	_ =	strace $0xD0000000  }
0x3: {  	_ = 	snop  }
0x4: {  	_ = 	snop  }
0x5: {  	_ = 	snop  }
0x6: {  	_ = 	snop  }
0x7: {  	_ = 	snop  }
__scs_overlays_trampoline_lowered:
0x8: {  	[smem:$0x3FA5] =	sst s0  }
0x9: {  	[smem:$0x3FA6] =	sst s1  }
0xa: {  	[smem:$0x3FA7] =	sst s2  }
0xb: {  	[smem:$0x3FA8] =	sst s3  }
0xc: {  	[smem:$0x3FA9] =	sst s4  }
0xd: {  	[smem:$0x3FAA] =	sst s5  }
0xe: {  	[smem:$0x3FAB] =	sst s6  }
0xf: {  	[smem:$0x3FAC] =	sst s7  }
0x10: {  	[smem:$0x3FAD] =	sst s8  }
0x11: {  	[smem:$0x3FAE] =	sst s9;
	s0 =	simm.s32 @!p0 $0x0  }
0x12: {  	s1 =	sld [smem:$0x3F94];
	s0 =	simm.s32 @p0 $0x1  }
0x13: {  	[smem:$0x3FAF] =	sst s0;
	s0 =	simm.s32 @!p1 $0x0  }
0x14: {  	s2 =	sld [smem:$0x3F93];
	s0 =	simm.s32 @p1 $0x1  }
0x15: {  	[smem:$0x3FB0] =	sst s0;
	s0 =	simm.s32 @!p2 $0x0  }
0x16: {  	s3 =	sld [smem:$0x3FDB];
	s0 =	simm.s32 @p2 $0x1  }
0x17: {  	s4 =	simm.s32 $0x1BF5;
	[smem:$0x3FB2] =	sst s0  }
0x18: {  	s0 =	sld [smem:$0x3F95];
	_ =	swait.ge [sflag:s4], $0x0  }
0x19: {  	s7 =	sld [smem:$0x3F96]  }
0x1a: {  	s8 =	sadd.s32 $0xFFFFE003, lr  }
0x1b: {  	s9 =	sadd.s32 $0xFFFFFEF7, lr;
	s5 =	simm.s32 $0xFFFFFFFF;
	p2 =	slt.u32 s8, $0xFFFFF086  }
0x1c: {  	p1 =	slt.u32 s9, $0xF7A;
	s5 =	simm.s32 @!p2 $0x0  }
0x1d: {  	s5 =	simm.s32 @p1 $0x1;
	p0 =	seq.s32 s7, s2  }
0x1e: {  	s7 =	smul.u32 @!p0 $0xF7A, s2;
	p2 =	seq.s32 @!p0 s5, $0x0  }
0x1f: {  	s9 =	smul.u32 $0xF7A, s1;
	s8 =	simm.s32 @!p0 $0x1BF5;
	p2 =	por !p2, p0  }
0x20: {  	[sflag:s8] =	ssyncset.s32 @!p0 $0xFFFFF086;
	s6 =	sadd.s32 @!p0 s3, s7;
	s7 =	simm.s32 @!p0 $0x108  }
0x21: {  	s3 =	sadd.s32 s3, s9;
	s6 =	sadd.s32 @!p0 $0x88, s6;
	s7 =	simm.s32 @p2 $0x1082  }
0x22: {  	[simem:s7], [sflag:s8] =	dma.local @!p0 [hbm:s6], $0xF7A  }
0x23: {  	s9 =	sor.u32 $0xD0000000, s2;
	s6 =	simm.s32 $0x108;
	_ =	swait.ge @!p0 [sflag:s8], $0x0  }
0x24: {  	s3 =	sadd.s32 $0x88, s3;
	s6 =	simm.s32 @!p1 $0x1082;
	[sflag:s4] =	ssyncset.s32 $0xFFFFF086  }
0x25: {  	[simem:s6], [sflag:s4] =	dma.local [hbm:s3], $0xF7A  }
0x26: {  	[smem:$0x3F96] =	sst s1;
	(tag) =	ssettag s2;
	_ =	strace s9  }
0x27: {  	s1 =	sld [smem:$0x3FA6]  }
0x28: {  	s2 =	sld [smem:$0x3FA7]  }
0x29: {  	s4 =	sld [smem:$0x3FA9]  }
0x2a: {  	p0 =	seq.s32 s5, $0x0;
	s5 =	sld [smem:$0x3FAA]  }
0x2b: {  	s6 =	sld [smem:$0x3FAB]  }
0x2c: {  	s7 =	sld [smem:$0x3FAC]  }
0x2d: {  	s3 =	simm.s32 $0x108;
	s8 =	sld [smem:$0x3FAD]  }
0x2e: {  	s3 =	simm.s32 @!p0 $0x1082;
	s9 =	sld [smem:$0x3FAE]  }
0x2f: {  	lr =	sadd.s32 s0, s3;
	s0 =	sld [smem:$0x3FA5]  }
0x30: {  	s3 =	sld [smem:$0x3FA8]  }
0x31: {  	[smem:$0x3FB1] =	sst s10  }
0x32: {  	s10 =	sld [smem:$0x3FAF];
	_ =	sdelay $0x3  }
0x33: {  	p0 =	seq.s32 s10, $0x1;
	s10 =	sld [smem:$0x3FB1];
	_ =	sdelay $0x3  }
0x34: {  	[smem:$0x3FB1] =	sst s10  }
0x35: {  	s10 =	sld [smem:$0x3FB0];
	_ =	sdelay $0x3  }
0x36: {  	p1 =	seq.s32 s10, $0x1;
	s10 =	sld [smem:$0x3FB1];
	_ =	sdelay $0x3  }
0x37: {  	[smem:$0x3FB1] =	sst s10  }
0x38: {  	s10 =	sld [smem:$0x3FB2]  }
0x39: {  	_ = 	snop;
	(pc) =	sbr.ind lr, $3  }
0x3a: {  	_ = 	snop  }
0x3b: {  	_ = 	snop  }
0x3c: {  	p2 =	seq.s32 s10, $0x1;
	s10 =	sld [smem:$0x3FB1]  }
0x3d: {  	_ =	shalt  }
0x3e: {  	_ =	shalt  }
0x3f: {  	_ =	shalt  }
0x40: {  	_ =	shalt  }
0x41: {  	_ =	shalt  }
0x42: {  	_ =	shalt  }
0x43: {  	_ =	shalt  }
0x44: {  	_ =	shalt  }
0x45: {  	_ =	shalt  }
0x46: {  	_ =	shalt  }
0x47: {  	_ =	shalt  }
0x48: {  	_ =	shalt  }
0x49: {  	_ =	shalt  }
0x4a: {  	_ =	shalt  }
0x4b: {  	_ =	shalt  }
0x4c: {  	_ =	shalt  }
0x4d: {  	_ =	shalt  }
0x4e: {  	_ =	shalt  }
0x4f: {  	_ =	shalt  }
0x50: {  	_ =	shalt  }
0x51: {  	_ =	shalt  }
0x52: {  	_ =	shalt  }
0x53: {  	_ =	shalt  }
0x54: {  	_ =	shalt  }
0x55: {  	_ =	shalt  }
0x56: {  	_ =	shalt  }
0x57: {  	_ =	shalt  }
0x58: {  	_ =	shalt  }
0x59: {  	_ =	shalt  }
0x5a: {  	_ =	shalt  }
0x5b: {  	_ =	shalt  }
0x5c: {  	_ =	shalt  }
0x5d: {  	_ =	shalt  }
0x5e: {  	_ =	shalt  }
0x5f: {  	_ =	shalt  }
0x60: {  	_ =	shalt  }
0x61: {  	_ =	shalt  }
0x62: {  	_ =	shalt  }
0x63: {  	_ =	shalt  }
0x64: {  	_ =	shalt  }
0x65: {  	_ =	shalt  }
0x66: {  	_ =	shalt  }
0x67: {  	_ =	shalt  }
0x68: {  	_ =	shalt  }
0x69: {  	_ =	shalt  }
0x6a: {  	_ =	shalt  }
0x6b: {  	_ =	shalt  }
0x6c: {  	_ =	shalt  }
0x6d: {  	_ =	shalt  }
0x6e: {  	_ =	shalt  }
0x6f: {  	_ =	shalt  }
0x70: {  	_ =	shalt  }
0x71: {  	_ =	shalt  }
0x72: {  	_ =	shalt  }
0x73: {  	_ =	shalt  }
0x74: {  	_ =	shalt  }
0x75: {  	_ =	shalt  }
0x76: {  	_ =	shalt  }
0x77: {  	_ =	shalt  }
0x78: {  	_ =	shalt  }
0x79: {  	_ =	shalt  }
0x7a: {  	_ =	shalt  }
0x7b: {  	_ =	shalt  }
0x7c: {  	_ =	shalt  }
0x7d: {  	_ =	shalt  }
0x7e: {  	_ =	shalt  }
0x7f: {  	_ =	shalt  }
0x80: {  	_ =	shalt  }
0x81: {  	_ =	shalt  }
0x82: {  	_ =	shalt  }
0x83: {  	_ =	shalt  }
0x84: {  	_ =	shalt  }
0x85: {  	_ =	shalt  }
0x86: {  	_ =	shalt  }
0x87: {  	_ =	shalt  }
.Lfunc_end0:
.L_simem_size_0:
called_computation.2_lowered:
.L_overlay_start_0:
0x88: {  	s2 =	sld [smem:$0x3FD9]  }
0x89: {  	s3 =	sld [smem:$0x3FFE];
	_ =	sdelay $0x1  }
0x8a: {  	s1 =	srdreg.scid  }
0x8b: {  	s0 =	sand.u32 $0x1, s1  }
0x8c: {  	s16 =	sshll.u32 s0, $0xA;
	s2 =	sadd.s32 s3, s2  }
0x8d: {  	s2 =	sadd.s32 s2, s16  }
0x8e: {  	[smem:$0x3FBD] =	sst s2  }
0x8f: {  	_ = 	snop  }
0x90: {  	(tm) =	ssettm $0x1  }
0x91: {  	s17 =	sld [smem:$0x3FFB];
	_ =	sdelay $0x3  }
0x92: {  	_ =	strace s17  }
0x93: {  	s2 =	sld [smem:$0x3FFC];
	_ =	sdelay $0x3  }
0x94: {  	_ =	strace s2  }
0x95: {  	s2 =	sld [smem:$0x3FFD];
	_ =	sdelay $0x3  }
0x96: {  	_ =	strace s2  }
0x97: {  	_ =	strace $0x8FFFFFFF  }
0x98: {  	s18 =	sld [smem:$0x3FDB];
	_ =	sdelay $0x1  }
0x99: {  	s19 =	simm.s32 $_scs_section_size  }
0x9a: {  	s4 =	simm.s32 $_size__tile_overlayer_lowered;
	s5 =	simm.s32 $_tile_overlayer_lowered  }
0x9b: {  	s22 =	simm.s32 $0x1BFF;
	s21 =	sshll.u32 s5, $0x1;
	s2 =	sadd.s32 s19, s18  }
0x9c: {  	s6 =	simm.s32 $0x0;
	s20 =	sshll.u32 s4, $0x1;
	s4 =	sadd.s32 s21, s2  }
0x9d: {  	[timem:s6], [sflag:s22] =	dma.local [hbm:s4], s20  }
0x9e: {  	_ =	swait.ge [sflag:s22], s20  }
0x9f: {  	s3 =	ssub.s32 $0x0, s20;
	[sflag:s22] =	ssyncset.done $0x0  }
0xa0: {  	[sflag:s22] =	ssyncadd.s32 s3;
	_ =	sdelay $0x1  }
0xa1: {  	s23 =	simm.s32 $0x1B8B  }
0xa2: {  	_ =	swait.ge [sflag:s23], $0x1  }
0xa3: {  	[sflag:s23] =	ssyncset.done $0x0  }
0xa4: {  	s25 =	simm.s32 $0x1B8E;
	s24 =	sld [smem:$0x3FFE];
	[sflag:s23] =	ssyncadd.s32 $0xFFFFFFFF  }
0xa5: {  	s26 =	simm.s32 $execute0_lowered;
	[smem:$0x3FD2] =	sst s25  }
0xa6: {  	s4 =	sshll.u32 s26, $0x1;
	_ =	strace $0x8000004C;
	[dreg:$0x1] =	wrdreg $0xFFFFFFFF  }
0xa7: {  	s28 =	simm.s32 $_size_execute0_lowered;
	s2 =	sadd.s32 s2, s4;
	[dreg:$0x0] =	wrdreg $0x0  }
0xa8: {  	s4 =	sshll.u32 s28, $0x1;
	[dreg:$0x2] =	wrdreg s2  }
0xa9: {  	[dreg:$0x3] =	wrdreg s4  }
0xaa: {  	[dreg:$0x4] =	wrdreg $0xC0  }
0xab: {  	_ =	task [dreg:s6], $0x5FFFF  }
0xac: {  	[dreg:$0x1] =	wrdreg $0xFFFFFFFF  }
0xad: {  	[dreg:$0x0] =	wrdreg $0x60  }
0xae: {  	[dreg:$0x2] =	wrdreg s24  }
0xaf: {  	[dreg:$0x3] =	wrdreg $0xA8000  }
0xb0: {  	[dreg:$0x4] =	wrdreg $0x9  }
0xb1: {  	_ =	task.clear_ibuf [dreg:s6], $0x5FFFF;
	_ =	strace $0x9000004C  }
0xb2: {  	s29 =	simm.s32 $0x9;
	_ =	strace $0x8000004E  }
0xb3: {  	_ =	swait.ge [sflag:s29], $0x1  }
0xb4: {  	[sflag:s29] =	ssyncadd.s32 $0xFFFFFFFF  }
0xb5: {  	_ =	strace $0x9000004E  }
0xb6: {  	_ =	sfence  }
0xb7: {  	s30 =	sld [smem:$0x0];
	_ =	sdelay $0x2  }
0xb8: {  	s31 =	sshll.u32 s1, $0xD;
	s1 =	sshrl.u32 s1, $0x2  }
0xb9: {  	s3 =	sand.u32 $0x4000, s31;
	s1 =	sadd.s32 s1, s30  }
0xba: {  	s0 =	sor.u32 s3, s0;
	s1 =	sshll.u32 s1, $0x11  }
0xbb: {  	s0 =	sor.u32 s1, s0  }
0xbc: {  	s0 =	sadd.s32 $0x8F2B, s0  }
0xbd: {  	[sflag:s0] =	ssyncadd.remote.s32 $0x1  }
0xbe: {  	_ =	sfence.sel $0xFFFF  }
0xbf: {  	[dreg:$0x0] =	wrdreg $0xFFFFFFFF;
	(pc) =	sbr.abs _section_cstart, $3  }
0xc0: {  	[dreg:$0x1] =	wrdreg $0xFFFFFFFF  }
0xc1: {  	_ =	task.clear_ibuf [dreg:s6], $0x2FFFF;
	_ =	strace $0x9FFFFFFF  }
0xc2: {  	(tm) =	ssettm $0x7FFFFFFF  }
0xc3: {  	_ =	shalt  }
tec
execute0_lowered:
.L_overlay_start_1:
0x0: {  	(tag) =	ssettag $0x1  }
0x1: {  	s6 =	rddreg [dreg:$0x0]  }
0x2: {  	s1 =	rddreg [dreg:$0x1]  }
0x3: {  	s2 =	srdreg.scid;
	s0 =	rddreg [dreg:$0x2];
	s3 =	simm.s32 $0x0  }
0x4: {  	s16 =	simm.s32 $0x80;
	s17 =	simm.s32 $0x2800;
	s18 =	simm.s32 $0x1  }
0x5: {  	s19 =	simm.s32 $0x6800;
	s20 =	simm.s32 $0x1380;
	s21 =	simm.s32 $0x2700  }
0x6: {  	s22 =	simm.s32 $0x2780;
	s23 =	simm.s32 $0x0;
	s7 =	sand.u32 $0x1, s2  }
0x7: {  	s2 =	stileid.u32;
	[smem:$0x7FF] =	sst s3;
	s4 =	sadd.s32 $0x17200, s6  }
0x8: {  	s11 =	sadd.s32 $0xD200, s6;
	s12 =	sadd.s32 $0x3200, s6;
	s5 =	smul.u32 $0x13C000, s7  }
0x9: {  	s8 =	smul.u32 $0x13C00, s2;
	_ =	strace $0x8000004D;
	s9 =	ssub.s32 $0x2, s7  }
0xa: {  	s7 =	sshll.u32 s7, $0x4;
	s10 =	smul.u32 $0x4F000, s2;
	s13 =	sshll.u32 s2, $0x6  }
0xb: {  	s30 =	sshrl.u32 s9, $0x1;
	s7 =	sor.u32 s2, s7;
	s8 =	sadd.s32 s8, s5  }
0xc: {  	s5 =	sadd.s32 $0x3E400, s6;
	s10 =	sshrl.u32 s10, $0x2;
	s14 =	smul.u32 $0x500, s7  }
0xd: {  	s9 =	ssub.s32 s9, s30;
	s8 =	sshrl.u32 s8, $0x3;
	s15 =	sadd.s32 s10, s1  }
0xe: {  	s8 =	sadd.s32 s8, s6;
	s6 =	sor.u32 $0x1C02, s13;
	s31 =	sadd.s32 $0x280, s14  }
0xf: {  	s10 =	sadd.s32 s12, s14;
	s13 =	sshrl.u32 s15, $0x3;
	s15 =	simm.s32 $0x1400  }
0x10: {  	s7 =	sadd.s32 $0x40C00, s8;
	s8 =	smax.u32 s9, $0x1;
	s9 =	sadd.s32 s11, s14  }
0x11: {  	s11 =	sadd.s32 s11, s31;
	s12 =	sadd.s32 s12, s31;
	s14 =	simm.s32 $0x2  }
.LBB2_1:
0x12: {  	[spmem:s13], [sflag:s6] =	dma.local [hbm:s5], $0x2780  }
0x13: {  	_ =	swait.ge [sflag:s14], $0x2780  }
0x14: {  	[sflag:s14] =	ssyncset.done $0x0  }
0x15: {  	[sflag:s14] =	ssyncadd.s32 $0xFFFFD880  }
0x16: {  	[bflag:$0x0] =	sbarrier.arrive $0xFFFF  }
0x17: {  	[tilespmem:s3], [sflag:$0x2] =	stream.linear.gather [hbm4b:s9+s3], $0x1400, $0x38;
	[tilespmem:$0x1E400] =	vst v63  }
0x18: {  	_ =	swait.ge [sflag:s14], $0x1400  }
0x19: {  	[sflag:s14] =	ssyncset.done $0x0  }
0x1a: {  	[sflag:s14] =	ssyncadd.s32 $0xFFFFEC00  }
0x1b: {  	[tilespmem:s15], [sflag:$0x2] =	stream.linear.gather [hbm4b:s10+s3], $0x1400, $0x38;
	[tilespmem:$0x1E400] =	vst v63  }
0x1c: {  	_ =	swait.ge [sflag:s14], $0x1400  }
0x1d: {  	[sflag:s14] =	ssyncset.done $0x0  }
0x1e: {  	[sflag:s14] =	ssyncadd.s32 $0xFFFFEC00  }
0x1f: {  	[tilespmem:s17], [sflag:$0x1] =	stream.indirect.gather [hbm4b:s4+s16], $0x80, s3, s16, $0xb8;
	[tilespmem:$0x1E400] =	vst v63  }
0x20: {  	_ =	swait.ge [sflag:s18], $0x4000  }
0x21: {  	[sflag:s18] =	ssyncset.done $0x0  }
0x22: {  	s24 =	simm.s32 $0x80;
	[sflag:s18] =	ssyncadd.s32 $0xFFFFC000  }
0x23: {  	[tilespmem:s19], [sflag:$0x1] =	stream.indirect.gather [hbm4b:s4+s16], $0x80, s24, s16, $0xb8;
	[tilespmem:$0x1E400] =	vst v63  }
0x24: {  	s29 =	simm.s32 $0x1400  }
0x25: {  	[spmem:s1] =	stream.indirect.scatter.add.f32 [tilespmem:s17], [sflag:$0x2], $0x80, s29, s16, $0xb8;
	[tilespmem:$0x1E400] =	vst v63  }
0x26: {  	_ =	swait.ge [sflag:s14], $0x4000  }
0x27: {  	[sflag:s14] =	ssyncset.done $0x0  }
0x28: {  	[sflag:s14] =	ssyncadd.s32 $0xFFFFC000  }
0x29: {  	_ =	swait.ge [sflag:s18], $0x4000  }
0x2a: {  	[sflag:s18] =	ssyncset.done $0x0  }
0x2b: {  	s30 =	simm.s32 $0x100;
	[sflag:s18] =	ssyncadd.s32 $0xFFFFC000  }
0x2c: {  	[tilespmem:s17], [sflag:$0x1] =	stream.indirect.gather [hbm4b:s4+s16], $0x80, s30, s16, $0xb8;
	[tilespmem:$0x1E400] =	vst v63  }
0x2d: {  	s31 =	simm.s32 $0x1480  }
0x2e: {  	[spmem:s1] =	stream.indirect.scatter.add.f32 [tilespmem:s19], [sflag:$0x2], $0x80, s31, s16, $0xb8;
	[tilespmem:$0x1E400] =	vst v63  }
0x2f: {  	_ =	swait.ge [sflag:s14], $0x4000  }
0x30: {  	s24 =	simm.s32 $0x400;
	[sflag:s14] =	ssyncset.done $0x0  }
.LBB2_2:
0x31: {  	p0 =	sne.s32 s24, $0x4800  }
0x32: {  	[sflag:s14] =	ssyncadd.s32 $0xFFFFC000;
	s25 =	smov.u32 s24;
	s24 =	sadd.s32 $0x400, s24  }
0x33: {  	_ = 	snop  }
0x34: {  	_ =	swait.ge [sflag:s18], $0x4000  }
0x35: {  	s25 =	sshra.s32 s25, $0x2;
	[sflag:s18] =	ssyncset.done $0x0  }
0x36: {  	s26 =	sadd.s32 $0x80, s25;
	[sflag:s18] =	ssyncadd.s32 $0xFFFFC000  }
0x37: {  	[tilespmem:s19], [sflag:$0x1] =	stream.indirect.gather [hbm4b:s4+s16], $0x80, s26, s16, $0xb8;
	[tilespmem:$0x1E400] =	vst v63  }
0x38: {  	s26 =	sadd.s32 $0x1400, s25  }
0x39: {  	[spmem:s1] =	stream.indirect.scatter.add.f32 [tilespmem:s17], [sflag:$0x2], $0x80, s26, s16, $0xb8;
	[tilespmem:$0x1E400] =	vst v63  }
0x3a: {  	_ =	swait.ge [sflag:s14], $0x4000  }
0x3b: {  	[sflag:s14] =	ssyncset.done $0x0  }
0x3c: {  	[sflag:s14] =	ssyncadd.s32 $0xFFFFC000  }
0x3d: {  	_ =	swait.ge [sflag:s18], $0x4000  }
0x3e: {  	[sflag:s18] =	ssyncset.done $0x0  }
0x3f: {  	s26 =	sadd.s32 $0x100, s25;
	[sflag:s18] =	ssyncadd.s32 $0xFFFFC000  }
0x40: {  	[tilespmem:s17], [sflag:$0x1] =	stream.indirect.gather [hbm4b:s4+s16], $0x80, s26, s16, $0xb8;
	[tilespmem:$0x1E400] =	vst v63  }
.Ltmp0:
0x41: {  	_ = 	snop;
	(pc) =	sbr.rel @p0 .LBB2_2-.Ltmp0, $4  }
0x42: {  	s25 =	sadd.s32 $0x1480, s25  }
0x43: {  	[spmem:s1] =	stream.indirect.scatter.add.f32 [tilespmem:s19], [sflag:$0x2], $0x80, s25, s16, $0xb8;
	[tilespmem:$0x1E400] =	vst v63  }
0x44: {  	_ =	swait.ge [sflag:s14], $0x4000  }
0x45: {  	[sflag:s14] =	ssyncset.done $0x0  }
0x46: {  	[sflag:s14] =	ssyncadd.s32 $0xFFFFC000  }
0x47: {  	_ =	swait.ge [sflag:s18], $0x4000  }
0x48: {  	[sflag:s18] =	ssyncset.done $0x0  }
0x49: {  	[sflag:s18] =	ssyncadd.s32 $0xFFFFC000  }
0x4a: {  	[tilespmem:s19], [sflag:$0x1] =	stream.indirect.gather [hbm4b:s4+s16], $0x80, s20, s16, $0xb8;
	[tilespmem:$0x1E400] =	vst v63  }
0x4b: {  	_ = 	snop  }
0x4c: {  	[spmem:s1] =	stream.indirect.scatter.add.f32 [tilespmem:s17], [sflag:$0x2], $0x80, s21, s16, $0xb8;
	[tilespmem:$0x1E400] =	vst v63  }
0x4d: {  	_ =	swait.ge [sflag:s14], $0x4000  }
0x4e: {  	[sflag:s14] =	ssyncset.done $0x0  }
0x4f: {  	[sflag:s14] =	ssyncadd.s32 $0xFFFFC000  }
0x50: {  	_ =	swait.ge [sflag:s18], $0x4000  }
0x51: {  	[sflag:s18] =	ssyncset.done $0x0  }
0x52: {  	[sflag:s18] =	ssyncadd.s32 $0xFFFFC000  }
0x53: {  	[spmem:s1] =	stream.indirect.scatter.add.f32 [tilespmem:s19], [sflag:$0x2], $0x80, s22, s16, $0xb8;
	[tilespmem:$0x1E400] =	vst v63  }
0x54: {  	_ =	swait.ge [sflag:s14], $0x4000  }
0x55: {  	[sflag:s14] =	ssyncset.done $0x0  }
0x56: {  	s24 =	simm.s32 $0x0;
	[sflag:s14] =	ssyncadd.s32 $0xFFFFC000  }
0x57: {  	[tilespmem:s24], [sflag:$0x2] =	stream.linear.gather [hbm4b:s11+s24], $0x1400, $0x38;
	[tilespmem:$0x1E400] =	vst v63  }
0x58: {  	_ =	swait.ge [sflag:s14], $0x1400  }
0x59: {  	[sflag:s14] =	ssyncset.done $0x0  }
0x5a: {  	[sflag:s14] =	ssyncadd.s32 $0xFFFFEC00  }
0x5b: {  	[tilespmem:s15], [sflag:$0x2] =	stream.linear.gather [hbm4b:s12+s24], $0x1400, $0x38;
	[tilespmem:$0x1E400] =	vst v63  }
0x5c: {  	_ =	swait.ge [sflag:s14], $0x1400  }
0x5d: {  	[sflag:s14] =	ssyncset.done $0x0  }
0x5e: {  	[sflag:s14] =	ssyncadd.s32 $0xFFFFEC00  }
0x5f: {  	[tilespmem:s17], [sflag:$0x1] =	stream.indirect.gather [hbm4b:s4+s16], $0x80, s24, s16, $0xb8;
	[tilespmem:$0x1E400] =	vst v63  }
0x60: {  	_ =	swait.ge [sflag:s18], $0x4000  }
0x61: {  	[sflag:s18] =	ssyncset.done $0x0  }
0x62: {  	s28 =	simm.s32 $0x80;
	[sflag:s18] =	ssyncadd.s32 $0xFFFFC000  }
0x63: {  	[tilespmem:s19], [sflag:$0x1] =	stream.indirect.gather [hbm4b:s4+s16], $0x80, s28, s16, $0xb8;
	[tilespmem:$0x1E400] =	vst v63  }
0x64: {  	s29 =	simm.s32 $0x1400  }
0x65: {  	[spmem:s1] =	stream.indirect.scatter.add.f32 [tilespmem:s17], [sflag:$0x2], $0x80, s29, s16, $0xb8;
	[tilespmem:$0x1E400] =	vst v63  }
0x66: {  	_ =	swait.ge [sflag:s14], $0x4000  }
0x67: {  	[sflag:s14] =	ssyncset.done $0x0  }
0x68: {  	[sflag:s14] =	ssyncadd.s32 $0xFFFFC000  }
0x69: {  	_ =	swait.ge [sflag:s18], $0x4000  }
0x6a: {  	[sflag:s18] =	ssyncset.done $0x0  }
0x6b: {  	s30 =	simm.s32 $0x100;
	[sflag:s18] =	ssyncadd.s32 $0xFFFFC000  }
0x6c: {  	[tilespmem:s17], [sflag:$0x1] =	stream.indirect.gather [hbm4b:s4+s16], $0x80, s30, s16, $0xb8;
	[tilespmem:$0x1E400] =	vst v63  }
0x6d: {  	s31 =	simm.s32 $0x1480  }
0x6e: {  	[spmem:s1] =	stream.indirect.scatter.add.f32 [tilespmem:s19], [sflag:$0x2], $0x80, s31, s16, $0xb8;
	[tilespmem:$0x1E400] =	vst v63  }
0x6f: {  	_ =	swait.ge [sflag:s14], $0x4000  }
0x70: {  	s24 =	simm.s32 $0x400;
	[sflag:s14] =	ssyncset.done $0x0  }
.LBB2_4:
0x71: {  	p0 =	sne.s32 s24, $0x4800  }
0x72: {  	[sflag:s14] =	ssyncadd.s32 $0xFFFFC000;
	s25 =	smov.u32 s24;
	s24 =	sadd.s32 $0x400, s24  }
0x73: {  	_ = 	snop  }
0x74: {  	_ =	swait.ge [sflag:s18], $0x4000  }
0x75: {  	s25 =	sshra.s32 s25, $0x2;
	[sflag:s18] =	ssyncset.done $0x0  }
0x76: {  	s26 =	sadd.s32 $0x80, s25;
	[sflag:s18] =	ssyncadd.s32 $0xFFFFC000  }
0x77: {  	[tilespmem:s19], [sflag:$0x1] =	stream.indirect.gather [hbm4b:s4+s16], $0x80, s26, s16, $0xb8;
	[tilespmem:$0x1E400] =	vst v63  }
0x78: {  	s26 =	sadd.s32 $0x1400, s25  }
0x79: {  	[spmem:s1] =	stream.indirect.scatter.add.f32 [tilespmem:s17], [sflag:$0x2], $0x80, s26, s16, $0xb8;
	[tilespmem:$0x1E400] =	vst v63  }
0x7a: {  	_ =	swait.ge [sflag:s14], $0x4000  }
0x7b: {  	[sflag:s14] =	ssyncset.done $0x0  }
0x7c: {  	[sflag:s14] =	ssyncadd.s32 $0xFFFFC000  }
0x7d: {  	_ =	swait.ge [sflag:s18], $0x4000  }
0x7e: {  	[sflag:s18] =	ssyncset.done $0x0  }
0x7f: {  	s26 =	sadd.s32 $0x100, s25;
	[sflag:s18] =	ssyncadd.s32 $0xFFFFC000  }
0x80: {  	[tilespmem:s17], [sflag:$0x1] =	stream.indirect.gather [hbm4b:s4+s16], $0x80, s26, s16, $0xb8;
	[tilespmem:$0x1E400] =	vst v63  }
.Ltmp1:
0x81: {  	_ = 	snop;
	(pc) =	sbr.rel @p0 .LBB2_4-.Ltmp1, $4  }
0x82: {  	s25 =	sadd.s32 $0x1480, s25  }
0x83: {  	[spmem:s1] =	stream.indirect.scatter.add.f32 [tilespmem:s19], [sflag:$0x2], $0x80, s25, s16, $0xb8;
	[tilespmem:$0x1E400] =	vst v63  }
0x84: {  	_ =	swait.ge [sflag:s14], $0x4000  }
0x85: {  	[sflag:s14] =	ssyncset.done $0x0  }
0x86: {  	[sflag:s14] =	ssyncadd.s32 $0xFFFFC000  }
0x87: {  	_ =	swait.ge [sflag:s18], $0x4000  }
0x88: {  	[sflag:s18] =	ssyncset.done $0x0  }
0x89: {  	[sflag:s18] =	ssyncadd.s32 $0xFFFFC000  }
0x8a: {  	[tilespmem:s19], [sflag:$0x1] =	stream.indirect.gather [hbm4b:s4+s16], $0x80, s20, s16, $0xb8;
	[tilespmem:$0x1E400] =	vst v63  }
0x8b: {  	_ = 	snop  }
0x8c: {  	[spmem:s1] =	stream.indirect.scatter.add.f32 [tilespmem:s17], [sflag:$0x2], $0x80, s21, s16, $0xb8;
	[tilespmem:$0x1E400] =	vst v63  }
0x8d: {  	_ =	swait.ge [sflag:s14], $0x4000  }
0x8e: {  	[sflag:s14] =	ssyncset.done $0x0  }
0x8f: {  	[sflag:s14] =	ssyncadd.s32 $0xFFFFC000  }
0x90: {  	_ =	swait.ge [sflag:s18], $0x4000  }
0x91: {  	[sflag:s18] =	ssyncset.done $0x0  }
0x92: {  	[sflag:s18] =	ssyncadd.s32 $0xFFFFC000  }
0x93: {  	[spmem:s1] =	stream.indirect.scatter.add.f32 [tilespmem:s19], [sflag:$0x2], $0x80, s22, s16, $0xb8;
	[tilespmem:$0x1E400] =	vst v63  }
0x94: {  	_ =	swait.ge [sflag:s14], $0x4000  }
0x95: {  	s23 =	sadd.s32 $0x1, s23;
	[sflag:s14] =	ssyncset.done $0x0  }
0x96: {  	p0 =	sne.s32 s23, s8;
	[sflag:s14] =	ssyncadd.s32 $0xFFFFC000  }
.Ltmp2:
0x97: {  	[bflag:$0x0] =	sbarrier.arrive $0xFFFF;
	(pc) =	sbr.rel @p0 .LBB2_1-.Ltmp2, $4  }
0x98: {  	[hbm:s7], [sflag:s6] =	dma.local [spmem:s13], $0x2780  }
0x99: {  	_ =	swait.ge [sflag:s14], $0x2780  }
0x9a: {  	[sflag:s14] =	ssyncset.done $0x0  }
0x9b: {  	[sflag:s14] =	ssyncadd.s32 $0xFFFFD880  }
0x9c: {  	_ =	sfence.sel $0x180000  }
0x9d: {  	[bflag:$0x0] =	sbarrier.arrive $0xFFFF  }
0x9e: {  	p0 =	sne.s32 s2, $0x0;
	_ =	strace $0x9000004D  }
0x9f: {  	s0 =	sadd.s32 @!p0 $0x100000, s0;
	[bflag:$0x2] =	sbarrier.arrive $0xFFFF  }
0xa0: {  	[sflag:s0] =	ssyncadd.tile.s32 @!p0 $0x1;
	_ =	shalt  }
.Lfunc_end2:
_tile_overlayer_lowered:
.L_overlay_start_2:
0xa1: {  	(tag) =	ssettag $0x2  }
0xa2: {  	s0 =	rddreg [dreg:$0x0];
	s2 =	stileid.u32  }
0xa3: {  	s1 =	rddreg [dreg:$0x1];
	p0 =	sne.s32 s2, $0x0  }
0xa4: {  	s3 =	rddreg [dreg:$0x2];
	[bflag:$0x3] =	sbarrier.arrive $0xFFFF;
	s2 =	simm.s32 @!p0 $0x1C02  }
0xa5: {  	[timem:s3], [sflag:s2] =	dma.local @!p0 [hbm:s0], s1  }
0xa6: {  	s0 =	simm.s32 @!p0 $0x2  }
0xa7: {  	_ =	swait.ge @!p0 [sflag:s0], s1  }
0xa8: {  	s1 =	ssub.s32 @!p0 $0x0, s1;
	[sflag:s0] =	ssyncset.done @!p0 $0x0  }
0xa9: {  	[sflag:s0] =	ssyncadd.s32 @!p0 s1  }
0xaa: {  	[bflag:$0x3] =	sbarrier.arrive $0xFFFF  }
0xab: {  	_ =	shalt  }

// kernel: kernel.8.cloned.1.call-start
scs
__scs_entry_jumppad:
0x0: {  	(pc) =	sbr.rel $0x88, $3  }
0x1: {  	(tag) =	ssettag $0x0;
	lr =	simm.s32 $0x1  }
0x2: {  	[smem:$0x3F96] =	sst lr;
	_ =	strace $0xD0000000  }
0x3: {  	_ = 	snop  }
0x4: {  	_ = 	snop  }
0x5: {  	_ = 	snop  }
0x6: {  	_ = 	snop  }
0x7: {  	_ = 	snop  }
__scs_overlays_trampoline_lowered:
0x8: {  	[smem:$0x3FA5] =	sst s0  }
0x9: {  	[smem:$0x3FA6] =	sst s1  }
0xa: {  	[smem:$0x3FA7] =	sst s2  }
0xb: {  	[smem:$0x3FA8] =	sst s3  }
0xc: {  	[smem:$0x3FA9] =	sst s4  }
0xd: {  	[smem:$0x3FAA] =	sst s5  }
0xe: {  	[smem:$0x3FAB] =	sst s6  }
0xf: {  	[smem:$0x3FAC] =	sst s7  }
0x10: {  	[smem:$0x3FAD] =	sst s8  }
0x11: {  	[smem:$0x3FAE] =	sst s9;
	s0 =	simm.s32 @!p0 $0x0  }
0x12: {  	s1 =	sld [smem:$0x3F94];
	s0 =	simm.s32 @p0 $0x1  }
0x13: {  	[smem:$0x3FAF] =	sst s0;
	s0 =	simm.s32 @!p1 $0x0  }
0x14: {  	s2 =	sld [smem:$0x3F93];
	s0 =	simm.s32 @p1 $0x1  }
0x15: {  	[smem:$0x3FB0] =	sst s0;
	s0 =	simm.s32 @!p2 $0x0  }
0x16: {  	s3 =	sld [smem:$0x3FDB];
	s0 =	simm.s32 @p2 $0x1  }
0x17: {  	s4 =	simm.s32 $0x1BF5;
	[smem:$0x3FB2] =	sst s0  }
0x18: {  	s0 =	sld [smem:$0x3F95];
	_ =	swait.ge [sflag:s4], $0x0  }
0x19: {  	s7 =	sld [smem:$0x3F96]  }
0x1a: {  	s8 =	sadd.s32 $0xFFFFE003, lr  }
0x1b: {  	s9 =	sadd.s32 $0xFFFFFEF7, lr;
	s5 =	simm.s32 $0xFFFFFFFF;
	p2 =	slt.u32 s8, $0xFFFFF086  }
0x1c: {  	p1 =	slt.u32 s9, $0xF7A;
	s5 =	simm.s32 @!p2 $0x0  }
0x1d: {  	s5 =	simm.s32 @p1 $0x1;
	p0 =	seq.s32 s7, s2  }
0x1e: {  	s7 =	smul.u32 @!p0 $0xF7A, s2;
	p2 =	seq.s32 @!p0 s5, $0x0  }
0x1f: {  	s9 =	smul.u32 $0xF7A, s1;
	s8 =	simm.s32 @!p0 $0x1BF5;
	p2 =	por !p2, p0  }
0x20: {  	[sflag:s8] =	ssyncset.s32 @!p0 $0xFFFFF086;
	s6 =	sadd.s32 @!p0 s3, s7;
	s7 =	simm.s32 @!p0 $0x108  }
0x21: {  	s3 =	sadd.s32 s3, s9;
	s6 =	sadd.s32 @!p0 $0x88, s6;
	s7 =	simm.s32 @p2 $0x1082  }
0x22: {  	[simem:s7], [sflag:s8] =	dma.local @!p0 [hbm:s6], $0xF7A  }
0x23: {  	s9 =	sor.u32 $0xD0000000, s2;
	s6 =	simm.s32 $0x108;
	_ =	swait.ge @!p0 [sflag:s8], $0x0  }
0x24: {  	s3 =	sadd.s32 $0x88, s3;
	s6 =	simm.s32 @!p1 $0x1082;
	[sflag:s4] =	ssyncset.s32 $0xFFFFF086  }
0x25: {  	[simem:s6], [sflag:s4] =	dma.local [hbm:s3], $0xF7A  }
0x26: {  	[smem:$0x3F96] =	sst s1;
	(tag) =	ssettag s2;
	_ =	strace s9  }
0x27: {  	s1 =	sld [smem:$0x3FA6]  }
0x28: {  	s2 =	sld [smem:$0x3FA7]  }
0x29: {  	s4 =	sld [smem:$0x3FA9]  }
0x2a: {  	p0 =	seq.s32 s5, $0x0;
	s5 =	sld [smem:$0x3FAA]  }
0x2b: {  	s6 =	sld [smem:$0x3FAB]  }
0x2c: {  	s7 =	sld [smem:$0x3FAC]  }
0x2d: {  	s3 =	simm.s32 $0x108;
	s8 =	sld [smem:$0x3FAD]  }
0x2e: {  	s3 =	simm.s32 @!p0 $0x1082;
	s9 =	sld [smem:$0x3FAE]  }
0x2f: {  	lr =	sadd.s32 s0, s3;
	s0 =	sld [smem:$0x3FA5]  }
0x30: {  	s3 =	sld [smem:$0x3FA8]  }
0x31: {  	[smem:$0x3FB1] =	sst s10  }
0x32: {  	s10 =	sld [smem:$0x3FAF];
	_ =	sdelay $0x3  }
0x33: {  	p0 =	seq.s32 s10, $0x1;
	s10 =	sld [smem:$0x3FB1];
	_ =	sdelay $0x3  }
0x34: {  	[smem:$0x3FB1] =	sst s10  }
0x35: {  	s10 =	sld [smem:$0x3FB0];
	_ =	sdelay $0x3  }
0x36: {  	p1 =	seq.s32 s10, $0x1;
	s10 =	sld [smem:$0x3FB1];
	_ =	sdelay $0x3  }
0x37: {  	[smem:$0x3FB1] =	sst s10  }
0x38: {  	s10 =	sld [smem:$0x3FB2]  }
0x39: {  	_ = 	snop;
	(pc) =	sbr.ind lr, $3  }
0x3a: {  	_ = 	snop  }
0x3b: {  	_ = 	snop  }
0x3c: {  	p2 =	seq.s32 s10, $0x1;
	s10 =	sld [smem:$0x3FB1]  }
0x3d: {  	_ =	shalt  }
0x3e: {  	_ =	shalt  }
0x3f: {  	_ =	shalt  }
0x40: {  	_ =	shalt  }
0x41: {  	_ =	shalt  }
0x42: {  	_ =	shalt  }
0x43: {  	_ =	shalt  }
0x44: {  	_ =	shalt  }
0x45: {  	_ =	shalt  }
0x46: {  	_ =	shalt  }
0x47: {  	_ =	shalt  }
0x48: {  	_ =	shalt  }
0x49: {  	_ =	shalt  }
0x4a: {  	_ =	shalt  }
0x4b: {  	_ =	shalt  }
0x4c: {  	_ =	shalt  }
0x4d: {  	_ =	shalt  }
0x4e: {  	_ =	shalt  }
0x4f: {  	_ =	shalt  }
0x50: {  	_ =	shalt  }
0x51: {  	_ =	shalt  }
0x52: {  	_ =	shalt  }
0x53: {  	_ =	shalt  }
0x54: {  	_ =	shalt  }
0x55: {  	_ =	shalt  }
0x56: {  	_ =	shalt  }
0x57: {  	_ =	shalt  }
0x58: {  	_ =	shalt  }
0x59: {  	_ =	shalt  }
0x5a: {  	_ =	shalt  }
0x5b: {  	_ =	shalt  }
0x5c: {  	_ =	shalt  }
0x5d: {  	_ =	shalt  }
0x5e: {  	_ =	shalt  }
0x5f: {  	_ =	shalt  }
0x60: {  	_ =	shalt  }
0x61: {  	_ =	shalt  }
0x62: {  	_ =	shalt  }
0x63: {  	_ =	shalt  }
0x64: {  	_ =	shalt  }
0x65: {  	_ =	shalt  }
0x66: {  	_ =	shalt  }
0x67: {  	_ =	shalt  }
0x68: {  	_ =	shalt  }
0x69: {  	_ =	shalt  }
0x6a: {  	_ =	shalt  }
0x6b: {  	_ =	shalt  }
0x6c: {  	_ =	shalt  }
0x6d: {  	_ =	shalt  }
0x6e: {  	_ =	shalt  }
0x6f: {  	_ =	shalt  }
0x70: {  	_ =	shalt  }
0x71: {  	_ =	shalt  }
0x72: {  	_ =	shalt  }
0x73: {  	_ =	shalt  }
0x74: {  	_ =	shalt  }
0x75: {  	_ =	shalt  }
0x76: {  	_ =	shalt  }
0x77: {  	_ =	shalt  }
0x78: {  	_ =	shalt  }
0x79: {  	_ =	shalt  }
0x7a: {  	_ =	shalt  }
0x7b: {  	_ =	shalt  }
0x7c: {  	_ =	shalt  }
0x7d: {  	_ =	shalt  }
0x7e: {  	_ =	shalt  }
0x7f: {  	_ =	shalt  }
0x80: {  	_ =	shalt  }
0x81: {  	_ =	shalt  }
0x82: {  	_ =	shalt  }
0x83: {  	_ =	shalt  }
0x84: {  	_ =	shalt  }
0x85: {  	_ =	shalt  }
0x86: {  	_ =	shalt  }
0x87: {  	_ =	shalt  }
.Lfunc_end0:
.L_simem_size_0:
called_computation_lowered:
.L_overlay_start_0:
0x88: {  	s2 =	sld [smem:$0x3FD9]  }
0x89: {  	s3 =	sld [smem:$0x3FFE];
	_ =	sdelay $0x1  }
0x8a: {  	s1 =	srdreg.scid  }
0x8b: {  	s0 =	sand.u32 $0x1, s1  }
0x8c: {  	s16 =	sshll.u32 s0, $0xA;
	s2 =	sadd.s32 s3, s2  }
0x8d: {  	s2 =	sadd.s32 s2, s16  }
0x8e: {  	[smem:$0x3FBD] =	sst s2  }
0x8f: {  	_ = 	snop  }
0x90: {  	(tm) =	ssettm $0x1  }
0x91: {  	s17 =	sld [smem:$0x3FFB];
	_ =	sdelay $0x3  }
0x92: {  	_ =	strace s17  }
0x93: {  	s2 =	sld [smem:$0x3FFC];
	_ =	sdelay $0x3  }
0x94: {  	_ =	strace s2  }
0x95: {  	s2 =	sld [smem:$0x3FFD];
	_ =	sdelay $0x3  }
0x96: {  	_ =	strace s2  }
0x97: {  	_ =	strace $0x8FFFFFFF  }
0x98: {  	s18 =	sld [smem:$0x3FDB];
	_ =	sdelay $0x1  }
0x99: {  	s19 =	simm.s32 $_scs_section_size  }
0x9a: {  	s4 =	simm.s32 $_size__tile_overlayer_lowered;
	s5 =	simm.s32 $_tile_overlayer_lowered  }
0x9b: {  	s22 =	simm.s32 $0x1BFF;
	s21 =	sshll.u32 s5, $0x1;
	s2 =	sadd.s32 s19, s18  }
0x9c: {  	s6 =	simm.s32 $0x0;
	s20 =	sshll.u32 s4, $0x1;
	s4 =	sadd.s32 s21, s2  }
0x9d: {  	[timem:s6], [sflag:s22] =	dma.local [hbm:s4], s20  }
0x9e: {  	_ =	swait.ge [sflag:s22], s20  }
0x9f: {  	s3 =	ssub.s32 $0x0, s20;
	[sflag:s22] =	ssyncset.done $0x0  }
0xa0: {  	[sflag:s22] =	ssyncadd.s32 s3;
	_ =	sdelay $0x1  }
0xa1: {  	s23 =	simm.s32 $0x1B8B  }
0xa2: {  	_ =	swait.ge [sflag:s23], $0x1  }
0xa3: {  	[sflag:s23] =	ssyncset.done $0x0  }
0xa4: {  	s25 =	simm.s32 $0x1B8E;
	s24 =	sld [smem:$0x3FFE];
	[sflag:s23] =	ssyncadd.s32 $0xFFFFFFFF  }
0xa5: {  	s26 =	simm.s32 $execute0_lowered;
	[smem:$0x3FD2] =	sst s25  }
0xa6: {  	s4 =	sshll.u32 s26, $0x1;
	_ =	strace $0x80000046;
	[dreg:$0x1] =	wrdreg $0xFFFFFFFF  }
0xa7: {  	s28 =	simm.s32 $_size_execute0_lowered;
	s2 =	sadd.s32 s2, s4;
	[dreg:$0x0] =	wrdreg $0x0  }
0xa8: {  	s4 =	sshll.u32 s28, $0x1;
	[dreg:$0x2] =	wrdreg s2  }
0xa9: {  	[dreg:$0x3] =	wrdreg s4  }
0xaa: {  	[dreg:$0x4] =	wrdreg $0xC0  }
0xab: {  	_ =	task [dreg:s6], $0x5FFFF  }
0xac: {  	[dreg:$0x1] =	wrdreg $0xFFFFFFFF  }
0xad: {  	[dreg:$0x0] =	wrdreg $0x60  }
0xae: {  	[dreg:$0x2] =	wrdreg s24  }
0xaf: {  	[dreg:$0x3] =	wrdreg $0x28800  }
0xb0: {  	[dreg:$0x4] =	wrdreg $0x9  }
0xb1: {  	_ =	task.clear_ibuf [dreg:s6], $0x5FFFF;
	_ =	strace $0x90000046  }
0xb2: {  	s29 =	simm.s32 $0x9;
	_ =	strace $0x80000048  }
0xb3: {  	_ =	swait.ge [sflag:s29], $0x1  }
0xb4: {  	[sflag:s29] =	ssyncadd.s32 $0xFFFFFFFF  }
0xb5: {  	_ =	strace $0x90000048  }
0xb6: {  	_ =	sfence  }
0xb7: {  	s30 =	sld [smem:$0x0];
	_ =	sdelay $0x2  }
0xb8: {  	s31 =	sshll.u32 s1, $0xD;
	s1 =	sshrl.u32 s1, $0x2  }
0xb9: {  	s3 =	sand.u32 $0x4000, s31;
	s1 =	sadd.s32 s1, s30  }
0xba: {  	s0 =	sor.u32 s3, s0;
	s1 =	sshll.u32 s1, $0x11  }
0xbb: {  	s0 =	sor.u32 s1, s0  }
0xbc: {  	s0 =	sadd.s32 $0x8F2B, s0  }
0xbd: {  	[sflag:s0] =	ssyncadd.remote.s32 $0x1  }
0xbe: {  	_ =	sfence.sel $0xFFFF  }
0xbf: {  	[dreg:$0x0] =	wrdreg $0xFFFFFFFF;
	(pc) =	sbr.abs _section_cstart, $3  }
0xc0: {  	[dreg:$0x1] =	wrdreg $0xFFFFFFFF  }
0xc1: {  	_ =	task.clear_ibuf [dreg:s6], $0x2FFFF;
	_ =	strace $0x9FFFFFFF  }
0xc2: {  	(tm) =	ssettm $0x7FFFFFFF  }
0xc3: {  	_ =	shalt  }
tec
execute0_lowered:
.L_overlay_start_1:
0x0: {  	(tag) =	ssettag $0x1  }
0x1: {  	s5 =	rddreg [dreg:$0x0]  }
0x2: {  	s0 =	srdreg.scid;
	s2 =	rddreg [dreg:$0x1]  }
0x3: {  	s3 =	simm.s32 $0x0;
	s12 =	simm.s32 $0x2800;
	s13 =	simm.s32 $0x1  }
0x4: {  	s14 =	simm.s32 $0x0;
	s4 =	sand.u32 $0x1, s0;
	s0 =	stileid.u32  }
0x5: {  	[smem:$0x7FF] =	sst s3;
	s1 =	sshll.u32 s4, $0x4;
	s7 =	smul.u32 $0x280, s0  }
0x6: {  	s8 =	smul.u32 $0x2800, s4;
	s4 =	ssub.s32 $0x2, s4;
	s1 =	sor.u32 s0, s1  }
0x7: {  	s31 =	sshll.u32 s0, $0x6;
	s10 =	sshrl.u32 s4, $0x1;
	s6 =	smul.u32 $0x500, s1  }
0x8: {  	s1 =	rddreg [dreg:$0x2];
	_ =	strace $0x80000047;
	s9 =	sshrl.u32 s7, $0x3  }
0x9: {  	s8 =	sadd.s32 s7, s8;
	s10 =	ssub.s32 s4, s10;
	s11 =	sadd.s32 s7, s2  }
0xa: {  	s9 =	sadd.s32 s9, s5;
	s8 =	sshrl.u32 s8, $0x3;
	s6 =	sadd.s32 s6, s5  }
0xb: {  	s8 =	sadd.s32 s8, s5;
	s4 =	sadd.s32 $0x17200, s9;
	s5 =	sor.u32 $0x1C02, s31  }
0xc: {  	s9 =	sshrl.u32 s11, $0x3;
	s11 =	simm.s32 $0x80;
	s6 =	sadd.s32 $0x3200, s6  }
0xd: {  	v0 =	vimm.f32 $1.000000000e+00;
	s7 =	sadd.s32 $0x17800, s8;
	s8 =	smax.u32 s10, $0x1;
	s10 =	simm.s32 $0x2  }
.LBB2_1:
0xe: {  	[spmem:s9], [sflag:s5] =	dma.local [hbm:s4], $0x50  }
0xf: {  	_ =	swait.ge [sflag:s10], $0x50  }
0x10: {  	[sflag:s10] =	ssyncset.done $0x0  }
0x11: {  	[sflag:s10] =	ssyncadd.s32 $0xFFFFFFB0  }
0x12: {  	[tilespmem:s3], [sflag:$0x2] =	stream.linear.gather [hbm4b:s6+s3], $0x2800, $0x38;
	[tilespmem:$0x2B00] =	vst v63  }
0x13: {  	_ =	swait.ge [sflag:s10], $0x2800  }
0x14: {  	[sflag:s10] =	ssyncset.done $0x0  }
0x15: {  	[sflag:s10] =	ssyncadd.s32 $0xFFFFD800  }
0x16: {  	[tilespmem:$0x2800] =	vst v0  }
0x17: {  	[tilespmem:$0x2810] =	vst v0  }
0x18: {  	[tilespmem:$0x2820] =	vst v0  }
0x19: {  	[tilespmem:$0x2830] =	vst v0  }
0x1a: {  	[tilespmem:$0x2840] =	vst v0  }
0x1b: {  	[tilespmem:$0x2850] =	vst v0  }
0x1c: {  	[tilespmem:$0x2860] =	vst v0  }
0x1d: {  	[tilespmem:$0x2870] =	vst v0  }
0x1e: {  	[bflag:$0x0] =	sbarrier.arrive $0xFFFF  }
0x1f: {  	[spmem:s2] =	stream.indirect.scatter.add.f32 [tilespmem:s12], [sflag:$0x1], $0x1, s3, s11, $0xb8;
	[tilespmem:$0x2B00] =	vst v63  }
0x20: {  	s15 =	simm.s32 $0x80  }
0x21: {  	[spmem:s2] =	stream.indirect.scatter.add.f32 [tilespmem:s12], [sflag:$0x1], $0x1, s15, s11, $0xb8;
	[tilespmem:$0x2B00] =	vst v63  }
0x22: {  	_ =	swait.ge [sflag:s13], $0x80  }
0x23: {  	s15 =	simm.s32 $0x400;
	[sflag:s13] =	ssyncset.done $0x0  }
.LBB2_2:
0x24: {  	s16 =	sshra.s32 s15, $0x2;
	[sflag:s13] =	ssyncadd.s32 $0xFFFFFF80;
	p0 =	sne.s32 s15, $0x9E00  }
0x25: {  	[spmem:s2] =	stream.indirect.scatter.add.f32 [tilespmem:s12], [sflag:$0x1], $0x1, s16, s11, $0xb8;
	[tilespmem:$0x2B00] =	vst v63  }
.Ltmp0:
0x26: {  	_ = 	snop;
	(pc) =	sbr.rel @p0 .LBB2_2-.Ltmp0, $4  }
0x27: {  	_ = 	snop  }
0x28: {  	s15 =	sadd.s32 $0x200, s15  }
0x29: {  	_ =	swait.ge [sflag:s13], $0x80  }
0x2a: {  	[sflag:s13] =	ssyncset.done $0x0  }
0x2b: {  	[sflag:s13] =	ssyncadd.s32 $0xFFFFFF80  }
0x2c: {  	_ =	swait.ge [sflag:s13], $0x80  }
0x2d: {  	s14 =	sadd.s32 $0x1, s14;
	[sflag:s13] =	ssyncset.done $0x0  }
0x2e: {  	p0 =	sne.s32 s14, s8;
	[sflag:s13] =	ssyncadd.s32 $0xFFFFFF80  }
.Ltmp1:
0x2f: {  	[bflag:$0x0] =	sbarrier.arrive $0xFFFF;
	(pc) =	sbr.rel @p0 .LBB2_1-.Ltmp1, $4  }
0x30: {  	[hbm:s7], [sflag:s5] =	dma.local [spmem:s9], $0x50  }
0x31: {  	_ =	swait.ge [sflag:s10], $0x50  }
0x32: {  	[sflag:s10] =	ssyncset.done $0x0  }
0x33: {  	[sflag:s10] =	ssyncadd.s32 $0xFFFFFFB0  }
0x34: {  	_ =	sfence.sel $0x180000  }
0x35: {  	[bflag:$0x0] =	sbarrier.arrive $0xFFFF  }
0x36: {  	p0 =	sne.s32 s0, $0x0;
	_ =	strace $0x90000047  }
0x37: {  	s0 =	sadd.s32 @!p0 $0x100000, s1;
	[bflag:$0x2] =	sbarrier.arrive $0xFFFF  }
0x38: {  	[sflag:s0] =	ssyncadd.tile.s32 @!p0 $0x1;
	_ =	shalt  }
.Lfunc_end2:
_tile_overlayer_lowered:
.L_overlay_start_2:
0x39: {  	(tag) =	ssettag $0x2  }
0x3a: {  	s0 =	rddreg [dreg:$0x0];
	s2 =	stileid.u32  }
0x3b: {  	s1 =	rddreg [dreg:$0x1];
	p0 =	sne.s32 s2, $0x0  }
0x3c: {  	s3 =	rddreg [dreg:$0x2];
	[bflag:$0x3] =	sbarrier.arrive $0xFFFF;
	s2 =	simm.s32 @!p0 $0x1C02  }
0x3d: {  	[timem:s3], [sflag:s2] =	dma.local @!p0 [hbm:s0], s1  }
0x3e: {  	s0 =	simm.s32 @!p0 $0x2  }
0x3f: {  	_ =	swait.ge @!p0 [sflag:s0], s1  }
0x40: {  	s1 =	ssub.s32 @!p0 $0x0, s1;
	[sflag:s0] =	ssyncset.done @!p0 $0x0  }
0x41: {  	[sflag:s0] =	ssyncadd.s32 @!p0 s1  }
0x42: {  	[bflag:$0x3] =	sbarrier.arrive $0xFFFF  }
0x43: {  	_ =	shalt  }

</sc_bundles>
